<compile_context>
chip_gen: v7x
topology: tpu7x:2x2x1
jax: 0.10.2.dev20260603
libtpu: 0.0.44.dev20260713+nightly
codegen_flags: <defaults>
</compile_context>

<pallas_src>
import functools

import jax
import jax.numpy as jnp
import numpy as np
from jax import lax
from jax.experimental import pallas as pl
from jax.experimental.pallas import tpu as pltpu
from jax.experimental.pallas import tpu_sc as plsc


def _mlp_select_body(P, T, HEAD, pidx_ref, x_ref, w1_ref, b1_ref,
                     w2_ref, b2_ref, out_ref):
    x = x_ref[...]
    h = jnp.tanh(
        jax.lax.dot(x, w1_ref[...], precision=jax.lax.Precision.HIGHEST)
        + b1_ref[...])
    y = (jax.lax.dot(h, w2_ref[...], precision=jax.lax.Precision.HIGHEST)
         + b2_ref[...])
    out_ref[...] = jnp.zeros(out_ref.shape, out_ref.dtype)
    slices = [lax.slice(y, (q * T, 0), ((q + 1) * T, y.shape[1]))
              for q in range(P)]
    B = out_ref.shape[0] // HEAD
    for b in range(B):
        p = pidx_ref[b]
        sel = slices[0]
        for q in range(1, P):
            sel = jnp.where(p == q, slices[q], sel)
        out_ref[pl.ds(b * HEAD, T), :] = sel


def _prefix_prompts(prefix_indices, input_tokens, W1, b1, W2, b2, HEAD):
    P, T, MID = input_tokens.shape
    H = W1.shape[1]
    B = prefix_indices.shape[0]
    x = input_tokens.reshape(P * T, MID)
    return pl.pallas_call(
        functools.partial(_mlp_select_body, P, T, HEAD),
        out_shape=jax.ShapeDtypeStruct((B * HEAD, H), jnp.float32),
        in_specs=[
            pl.BlockSpec(memory_space=pltpu.SMEM),
            pl.BlockSpec(memory_space=pltpu.VMEM),
            pl.BlockSpec(memory_space=pltpu.VMEM),
            pl.BlockSpec(memory_space=pltpu.VMEM),
            pl.BlockSpec(memory_space=pltpu.VMEM),
            pl.BlockSpec(memory_space=pltpu.VMEM),
        ],
        out_specs=pl.BlockSpec(memory_space=pltpu.VMEM),
    )(prefix_indices, x, W1, b1.reshape(1, H), W2, b2.reshape(1, H))


def _sc_gather(wte_weight, tok_flat, pos_map,
               B, S, T, H, NC, NW, WPB, HEAD, IW, CH, NCH, PR):
    JR = HEAD

    mesh = plsc.VectorSubcoreMesh(core_axis_name="c", subcore_axis_name="s")

    @functools.partial(
        pl.kernel,
        out_type=jax.ShapeDtypeStruct((B * PR, H), jnp.float32),
        mesh=mesh,
        scratch_types=[
            pltpu.VMEM((IW,), jnp.int32),
            pltpu.VMEM((IW,), jnp.int32),
            pltpu.VMEM((2, CH, H), jnp.float32),
            pltpu.VMEM((JR, H), jnp.float32),
            pltpu.SemaphoreType.DMA,
            pltpu.SemaphoreType.DMA,
            pltpu.SemaphoreType.DMA,
            pltpu.SemaphoreType.DMA,
            pltpu.SemaphoreType.DMA,
        ],
    )
    def k(wte_hbm, tok_hbm, map_hbm, out_hbm,
          map_v, idx_v, rows_v, joint_v, sg0, sg1, so0, so1, sh):
        wid = lax.axis_index("c") * (NW // NC) + lax.axis_index("s")
        b = wid // WPB
        sub = wid % WPB
        pbase = b * PR

        pltpu.sync_copy(map_hbm.at[pl.ds(wid * IW, IW)], map_v)
        e0 = pltpu.async_copy(
            tok_hbm.at[map_v.at[pl.ds(0, 96)]], idx_v.at[pl.ds(0, 96)], sg0)
        e1 = pltpu.async_copy(
            tok_hbm.at[map_v.at[pl.ds(96, 96)]], idx_v.at[pl.ds(96, 96)],
            sg1)
        e2 = pltpu.async_copy(
            tok_hbm.at[map_v.at[pl.ds(192, IW - 192)]],
            idx_v.at[pl.ds(192, IW - 192)], so0)
        e0.wait()

        sg = (sg0, sg1)
        so = (so0, so1)
        gathers = [None, None]
        writes = [None, None]
        gathers[0] = pltpu.async_copy(
            wte_hbm.at[idx_v.at[pl.ds(JR, CH)]], rows_v.at[0], sg[0])

        @pl.when(sub == 0)
        def _():
            pltpu.async_copy(wte_hbm.at[idx_v.at[pl.ds(0, JR)]], joint_v,
                             sh)

        e1.wait()

        for c in range(NCH):
            cur = c % 2
            nxt = 1 - cur
            if c == 4:
                e2.wait()
            if c + 1 <= NCH - 1:
                if writes[nxt] is not None:
                    writes[nxt].wait()
                gathers[nxt] = pltpu.async_copy(
                    wte_hbm.at[idx_v.at[pl.ds(JR + (c + 1) * CH, CH)]],
                    rows_v.at[nxt], sg[nxt])
            gathers[cur].wait()
            writes[cur] = pltpu.async_copy(
                rows_v.at[cur],
                out_hbm.at[pl.ds(pbase + JR + (NCH * sub + c) * CH, CH)],
                so[cur])

        @pl.when(sub == 0)
        def _():
            pltpu.make_async_copy(wte_hbm.at[idx_v.at[pl.ds(0, JR)]],
                                  joint_v, sh).wait()
            pltpu.sync_copy(joint_v, out_hbm.at[pl.ds(pbase, JR)])

        writes[NCH % 2].wait()
        writes[1 - NCH % 2].wait()

    return k(wte_weight, tok_flat, pos_map)


def _place_body(B, T, PR, HEAD, gath_ref, prompts_ref, out_ref, blk, sem,
                sem2):
    for b in range(B):
        pltpu.make_async_copy(
            prompts_ref.at[pl.ds(b * HEAD, 8)],
            out_ref.at[pl.ds(b * PR, 8)], sem).start()
        pltpu.make_async_copy(
            out_ref.at[pl.ds(b * PR + 8, 8)], blk.at[b], sem2).start()
    for b in range(B):
        pltpu.make_async_copy(
            out_ref.at[pl.ds(b * PR + 8, 8)], blk.at[b], sem2).wait()
        blk[b, pl.ds(0, 2), :] = prompts_ref[pl.ds(b * HEAD + 8, 2), :]
    for b in range(B):
        pltpu.make_async_copy(
            blk.at[b], out_ref.at[pl.ds(b * PR + 8, 8)], sem2).start()
    for b in range(B):
        pltpu.make_async_copy(
            prompts_ref.at[pl.ds(b * HEAD, 8)],
            out_ref.at[pl.ds(b * PR, 8)], sem).wait()
        pltpu.make_async_copy(
            blk.at[b], out_ref.at[pl.ds(b * PR + 8, 8)], sem2).wait()


def _place_prompts(gathered, prompts, B, T, PR, HEAD, H):
    return pl.pallas_call(
        functools.partial(_place_body, B, T, PR, HEAD),
        out_shape=jax.ShapeDtypeStruct(gathered.shape, gathered.dtype),
        in_specs=[
            pl.BlockSpec(memory_space=pl.ANY),
            pl.BlockSpec(memory_space=pltpu.VMEM),
        ],
        out_specs=pl.BlockSpec(memory_space=pl.ANY),
        scratch_shapes=[pltpu.VMEM((B, 8, H), jnp.float32),
                        pltpu.SemaphoreType.DMA,
                        pltpu.SemaphoreType.DMA],
        input_output_aliases={0: 0},
    )(gathered, prompts)


def kernel(tokens, prefix_indices, wte_weight, input_tokens, W1, b1, W2, b2):
    B, S = tokens.shape
    P, T, MID = input_tokens.shape
    H = W1.shape[1]
    ROWS = T + S
    PR = ROWS + (-ROWS) % 8

    info = plsc.get_sparse_core_info()
    NC = info.num_cores
    NW = NC * info.num_subcores
    WPB = NW // B
    HEAD = T + (-T) % 8
    CH = 32
    NCH = (PR - HEAD) // (WPB * CH)
    assert HEAD + WPB * NCH * CH == PR
    IW = HEAD + NCH * CH

    pos_map = np.zeros((NW * IW,), dtype=np.int32)
    for b in range(B):
        for sub in range(WPB):
            base = (b * WPB + sub) * IW
            if sub == 0:
                for r in range(T, HEAD):
                    pos_map[base + r] = b * S + (r - T)
            for k_ in range(NCH):
                c = NCH * sub + k_
                for j in range(CH):
                    r = HEAD + CH * c + j
                    pos_map[base + HEAD + CH * k_ + j] = (
                        b * S + (r - T if r < ROWS else r - HEAD))

    tok_flat = tokens.astype(jnp.int32).reshape(B * S)
    prompts = _prefix_prompts(prefix_indices.astype(jnp.int32),
                              input_tokens, W1, b1, W2, b2, HEAD)
    gathered = _sc_gather(wte_weight, tok_flat, jnp.asarray(pos_map),
                          B, S, T, H, NC, NW, WPB, HEAD, IW, CH, NCH, PR)
    out = _place_prompts(gathered, prompts, B, T, PR, HEAD, H)
    return out.reshape(B, PR, H)[:, :ROWS, :]

# --- scband reference (transcript-rebuilt; emitter-appended) ---
"""Pipeline reference for scband-soft-embedding-45200235823160 (READ-ONLY COPY).

The authoritative reference and input builder live on the scoring server;
editing this copy changes nothing except your own understanding.
"""

import jax, jax.numpy as jnp
import numpy as np

VOCAB = 100000
HIDDEN = 1024
MID = 512
N_PREFIXES = 2
N_TOKENS = 10
BATCH = 4
SEQ = 2048


def setup_inputs(seed: int = 0) -> dict:
    key = jax.random.key(seed)
    ks = jax.random.split(key, 8)
    tokens = jax.random.randint(ks[0], (BATCH, SEQ), 0, VOCAB, dtype=jnp.int64 if jax.config.jax_enable_x64 else jnp.int32)
    prefix_indices = jax.random.randint(ks[1], (BATCH,), 0, N_PREFIXES, dtype=jnp.int64 if jax.config.jax_enable_x64 else jnp.int32)
    wte_weight = jax.random.normal(ks[2], (VOCAB, HIDDEN), dtype=jnp.float32) * 0.02
    input_tokens = jax.random.normal(ks[3], (N_PREFIXES, N_TOKENS, MID), dtype=jnp.float32)
    W1 = jax.random.normal(ks[4], (MID, HIDDEN), dtype=jnp.float32) * (1.0 / np.sqrt(MID))
    b1 = jnp.zeros((HIDDEN,), dtype=jnp.float32)
    W2 = jax.random.normal(ks[5], (HIDDEN, HIDDEN), dtype=jnp.float32) * (1.0 / np.sqrt(HIDDEN))
    b2 = jnp.zeros((HIDDEN,), dtype=jnp.float32)
    return {
        'tokens': tokens,
        'prefix_indices': prefix_indices,
        'wte_weight': wte_weight,
        'input_tokens': input_tokens,
        'W1': W1,
        'b1': b1,
        'W2': W2,
        'b2': b2,
    }


def reference(tokens, prefix_indices, wte_weight, input_tokens, W1, b1, W2, b2):
    # wte(tokens): embedding gather
    input_embedding = jnp.take(wte_weight, tokens, axis=0)  # [B, S, H]
    # trans(input_tokens): Linear -> Tanh -> Linear
    h = jnp.tanh(jnp.einsum('ptm,mh->pth', input_tokens, W1) + b1)
    prefix_embedding = jnp.einsum('pth,hk->ptk', h, W2) + b2  # [P, T, H]
    # select per-sample prefix
    prompts = jnp.take(prefix_embedding, prefix_indices, axis=0)  # [B, T, H]
    return jnp.concatenate([prompts, input_embedding], axis=1)  # [B, T+S, H]

if __name__ == "__main__":
    import jax
    _d = setup_inputs()
    print(jax.jit(kernel)(*tuple(_d.values())))

</pallas_src>

<mosaic_0001>
#map = affine_map<(d0, d1) -> (0, 0)>
#map1 = affine_map<(d0, d1) -> (0)>
module attributes {stable_mosaic.version = 14 : i64} {
  func.func @k(%arg0: i32, %arg1: i32, %arg2: memref<100000x1024xf32, #tpu.memory_space<hbm>>, %arg3: memref<8192xi32, #tpu.memory_space<hbm>>, %arg4: memref<8704xi32, #tpu.memory_space<hbm>>, %arg5: memref<8256x1024xf32, #tpu.memory_space<hbm>>, %arg6: memref<272xi32, #tpu.memory_space<vmem>>, %arg7: memref<272xi32, #tpu.memory_space<vmem>>, %arg8: memref<2x32x1024xf32, #tpu.memory_space<vmem>>, %arg9: memref<16x1024xf32, #tpu.memory_space<vmem>>, %arg10: memref<!tpu.dma_semaphore, #tpu.memory_space<semaphore_mem>>, %arg11: memref<!tpu.dma_semaphore, #tpu.memory_space<semaphore_mem>>, %arg12: memref<!tpu.dma_semaphore, #tpu.memory_space<semaphore_mem>>, %arg13: memref<!tpu.dma_semaphore, #tpu.memory_space<semaphore_mem>>, %arg14: memref<!tpu.dma_semaphore, #tpu.memory_space<semaphore_mem>>) attributes {dimension_semantics = [#tpu.dimension_semantics<core_parallel>, #tpu.dimension_semantics<subcore_parallel>], iteration_bounds = array<i64: 2, 16>, scalar_prefetch = 0 : i64, scratch_operands = 9 : i64, tpu.core_type = #tpu.core_type<sc_vector_subcore>, window_params = [{transform_indices = #map}, {transform_indices = #map1}, {transform_indices = #map1}, {transform_indices = #map}]} {
    %mul3A = arith.constant 16 : i32
    %mul3A_0 = arith.muli %arg0, %mul3A : i32
    %add3A = arith.addi %mul3A_0, %arg1 : i32
    %jit3A = arith.constant 8 : i32
    %div3A = arith.divsi %add3A, %jit3A : i32
    %sign3A = arith.constant 0 : i32
    %sign3A_1 = arith.cmpi sgt, %add3A, %sign3A : i32
    %sign3A_2 = arith.extui %sign3A_1 : i1 to i32
    %sign3A_3 = arith.constant 0 : i32
    %sign3A_4 = arith.cmpi slt, %add3A, %sign3A_3 : i32
    %sign3A_5 = arith.extui %sign3A_4 : i1 to i32
    %sign3A_6 = arith.subi %sign3A_2, %sign3A_5 : i32
    %sign3A_7 = arith.constant 0 : i32
    %sign3A_8 = arith.cmpi sgt, %jit3A, %sign3A_7 : i32
    %sign3A_9 = arith.extui %sign3A_8 : i1 to i32
    %sign3A_10 = arith.constant 0 : i32
    %sign3A_11 = arith.cmpi slt, %jit3A, %sign3A_10 : i32
    %sign3A_12 = arith.extui %sign3A_11 : i1 to i32
    %sign3A_13 = arith.subi %sign3A_9, %sign3A_12 : i32
    %ne3A = arith.cmpi ne, %sign3A_6, %sign3A_13 : i32
    %rem3A = arith.remsi %add3A, %jit3A : i32
    %ne3A_14 = arith.constant 0 : i32
    %ne3A_15 = arith.cmpi ne, %rem3A, %ne3A_14 : i32
    %and3A = arith.andi %ne3A, %ne3A_15 : i1
    %sub3A = arith.constant 1 : i32
    %sub3A_16 = arith.subi %div3A, %sub3A : i32
    %select_n3A = arith.select %and3A, %sub3A_16, %div3A : i32
    %jit3A_17 = arith.constant 8 : i32
    %eq3A = arith.constant 0 : i32
    %eq3A_18 = arith.cmpi eq, %jit3A_17, %eq3A : i32
    %jit3A_19 = arith.constant 1 : i32
    %select_n3A_20 = arith.select %eq3A_18, %jit3A_19, %jit3A_17 : i32
    %rem3A_21 = arith.remsi %add3A, %select_n3A_20 : i32
    %ne3A_22 = arith.constant 0 : i32
    %ne3A_23 = arith.cmpi ne, %rem3A_21, %ne3A_22 : i32
    %lt3A = arith.constant 0 : i32
    %lt3A_24 = arith.cmpi slt, %rem3A_21, %lt3A : i32
    %lt3A_25 = arith.constant 0 : i32
    %lt3A_26 = arith.cmpi slt, %select_n3A_20, %lt3A_25 : i32
    %ne3A_27 = arith.xori %lt3A_24, %lt3A_26 : i1
    %and3A_28 = arith.andi %ne3A_27, %ne3A_23 : i1
    %add3A_29 = arith.addi %rem3A_21, %select_n3A_20 : i32
    %select_n3A_30 = arith.select %and3A_28, %add3A_29, %rem3A_21 : i32
    %mul3A_31 = arith.constant 2064 : i32
    %mul3A_32 = arith.muli %select_n3A, %mul3A_31 : i32
    %mul3A_33 = arith.constant 272 : i32
    %mul3A_34 = arith.muli %add3A, %mul3A_33 : i32
    "tpu.region"() ({
      %run_scoped3A = tpu.sem_alloc : memref<!tpu.dma_semaphore, #tpu.memory_space<semaphore_mem>>
      %dma_start3A_517 = tpu.memref_slice %arg4[%mul3A_34] : memref<8704xi32, #tpu.memory_space<hbm>> -> memref<272xi32, #tpu.memory_space<hbm>>
      %dma_start3A_518 = tpu.memref_slice %arg4[%mul3A_34] : memref<8704xi32, #tpu.memory_space<hbm>> -> memref<272xi32, #tpu.memory_space<hbm>>
      tpu.enqueue_dma source(%dma_start3A_518 : memref<272xi32, #tpu.memory_space<hbm>>) target(%arg6 : memref<272xi32, #tpu.memory_space<vmem>>) target_semaphore(%run_scoped3A : memref<!tpu.dma_semaphore, #tpu.memory_space<semaphore_mem>>)
      %dma_wait3A_519 = tpu.memref_slice %arg4[%mul3A_34] : memref<8704xi32, #tpu.memory_space<hbm>> -> memref<272xi32, #tpu.memory_space<hbm>>
      %dma_wait3A_520 = tpu.memref_slice %arg4[%mul3A_34] : memref<8704xi32, #tpu.memory_space<hbm>> -> memref<272xi32, #tpu.memory_space<hbm>>
      tpu.wait_dma2 semaphore(%run_scoped3A : memref<!tpu.dma_semaphore, #tpu.memory_space<semaphore_mem>>) src(%dma_wait3A_520 : memref<272xi32, #tpu.memory_space<hbm>>) dst(%arg6 : memref<272xi32, #tpu.memory_space<vmem>>)
      tpu.yield
    }) : () -> ()
    %dma_start3A = arith.constant 0 : i32
    %dma_start3A_35 = tpu.memref_slice %arg7[%dma_start3A] : memref<272xi32, #tpu.memory_space<vmem>> -> memref<96xi32, #tpu.memory_space<vmem>>
    %dma_start3A_36 = arith.constant 0 : i32
    %dma_start3A_37 = tpu.memref_slice %arg6[%dma_start3A_36] : memref<272xi32, #tpu.memory_space<vmem>> -> memref<96xi32, #tpu.memory_space<vmem>>
    %dma_start3A_38 = arith.constant 0 : i32
    %dma_start3A_39 = tpu.memref_slice %arg3[%dma_start3A_38] : memref<8192xi32, #tpu.memory_space<hbm>> -> memref<8192xi32, #tpu.memory_space<hbm>>
    tpu.enqueue_indirect_dma source(%dma_start3A_39 : memref<8192xi32, #tpu.memory_space<hbm>>) target(%dma_start3A_35 : memref<96xi32, #tpu.memory_space<vmem>>) offsets(%dma_start3A_37 : memref<96xi32, #tpu.memory_space<vmem>>) semaphore(%arg10 : memref<!tpu.dma_semaphore, #tpu.memory_space<semaphore_mem>>)
    %dma_start3A_40 = arith.constant 96 : i32
    %dma_start3A_41 = tpu.memref_slice %arg7[%dma_start3A_40] : memref<272xi32, #tpu.memory_space<vmem>> -> memref<96xi32, #tpu.memory_space<vmem>>
    %dma_start3A_42 = arith.constant 96 : i32
    %dma_start3A_43 = tpu.memref_slice %arg6[%dma_start3A_42] : memref<272xi32, #tpu.memory_space<vmem>> -> memref<96xi32, #tpu.memory_space<vmem>>
    %dma_start3A_44 = arith.constant 0 : i32
    %dma_start3A_45 = tpu.memref_slice %arg3[%dma_start3A_44] : memref<8192xi32, #tpu.memory_space<hbm>> -> memref<8192xi32, #tpu.memory_space<hbm>>
    tpu.enqueue_indirect_dma source(%dma_start3A_45 : memref<8192xi32, #tpu.memory_space<hbm>>) target(%dma_start3A_41 : memref<96xi32, #tpu.memory_space<vmem>>) offsets(%dma_start3A_43 : memref<96xi32, #tpu.memory_space<vmem>>) semaphore(%arg11 : memref<!tpu.dma_semaphore, #tpu.memory_space<semaphore_mem>>)
    %dma_start3A_46 = arith.constant 192 : i32
    %dma_start3A_47 = tpu.memref_slice %arg7[%dma_start3A_46] : memref<272xi32, #tpu.memory_space<vmem>> -> memref<80xi32, #tpu.memory_space<vmem>>
    %dma_start3A_48 = arith.constant 192 : i32
    %dma_start3A_49 = tpu.memref_slice %arg6[%dma_start3A_48] : memref<272xi32, #tpu.memory_space<vmem>> -> memref<80xi32, #tpu.memory_space<vmem>>
    %dma_start3A_50 = arith.constant 0 : i32
    %dma_start3A_51 = tpu.memref_slice %arg3[%dma_start3A_50] : memref<8192xi32, #tpu.memory_space<hbm>> -> memref<8192xi32, #tpu.memory_space<hbm>>
    tpu.enqueue_indirect_dma source(%dma_start3A_51 : memref<8192xi32, #tpu.memory_space<hbm>>) target(%dma_start3A_47 : memref<80xi32, #tpu.memory_space<vmem>>) offsets(%dma_start3A_49 : memref<80xi32, #tpu.memory_space<vmem>>) semaphore(%arg12 : memref<!tpu.dma_semaphore, #tpu.memory_space<semaphore_mem>>)
    %dma_wait3A = arith.constant 0 : i32
    %dma_wait3A_52 = tpu.memref_slice %arg7[%dma_wait3A] : memref<272xi32, #tpu.memory_space<vmem>> -> memref<96xi32, #tpu.memory_space<vmem>>
    %dma_wait3A_53 = arith.constant 0 : i32
    %dma_wait3A_54 = tpu.memref_slice %arg6[%dma_wait3A_53] : memref<272xi32, #tpu.memory_space<vmem>> -> memref<96xi32, #tpu.memory_space<vmem>>
    %dma_wait3A_55 = arith.constant 0 : i32
    %dma_wait3A_56 = tpu.memref_slice %arg3[%dma_wait3A_55] : memref<8192xi32, #tpu.memory_space<hbm>> -> memref<8192xi32, #tpu.memory_space<hbm>>
    tpu.wait_indirect_dma semaphore(%arg10 : memref<!tpu.dma_semaphore, #tpu.memory_space<semaphore_mem>>) src(%dma_wait3A_56 : memref<8192xi32, #tpu.memory_space<hbm>>) dst(%dma_wait3A_52 : memref<96xi32, #tpu.memory_space<vmem>>)
    %dma_start3A_57 = arith.constant 0 : i32
    %dma_start3A_58 = arith.constant 0 : i32
    %dma_start3A_59 = arith.constant 0 : i32
    %dma_start3A_60 = tpu.memref_slice %arg8[%dma_start3A_57, %dma_start3A_58, %dma_start3A_59] : memref<2x32x1024xf32, #tpu.memory_space<vmem>> -> memref<1x32x1024xf32, #tpu.memory_space<vmem>>
    %dma_start3A_61 = tpu.memref_squeeze %dma_start3A_60 : memref<1x32x1024xf32, #tpu.memory_space<vmem>> -> memref<32x1024xf32, #tpu.memory_space<vmem>>
    %dma_start3A_62 = arith.constant 16 : i32
    %dma_start3A_63 = tpu.memref_slice %arg7[%dma_start3A_62] : memref<272xi32, #tpu.memory_space<vmem>> -> memref<32xi32, #tpu.memory_space<vmem>>
    %dma_start3A_64 = arith.constant 0 : i32
    %dma_start3A_65 = arith.constant 0 : i32
    %dma_start3A_66 = tpu.memref_slice %arg2[%dma_start3A_64, %dma_start3A_65] : memref<100000x1024xf32, #tpu.memory_space<hbm>> -> memref<100000x1024xf32, #tpu.memory_space<hbm>>
    tpu.enqueue_indirect_dma source(%dma_start3A_66 : memref<100000x1024xf32, #tpu.memory_space<hbm>>) target(%dma_start3A_61 : memref<32x1024xf32, #tpu.memory_space<vmem>>) offsets(%dma_start3A_63 : memref<32xi32, #tpu.memory_space<vmem>>) semaphore(%arg10 : memref<!tpu.dma_semaphore, #tpu.memory_space<semaphore_mem>>)
    %eq3A_67 = arith.constant 0 : i32
    %eq3A_68 = arith.cmpi eq, %select_n3A_30, %eq3A_67 : i32
    %convert_element_type3A = arith.extui %eq3A_68 : i1 to i32
    %cond3A = arith.constant 0 : i32
    %cond3A_69 = arith.cmpi ne, %convert_element_type3A, %cond3A : i32
    scf.if %cond3A_69 {
      %dma_start3A_517 = arith.constant 0 : i32
      %dma_start3A_518 = tpu.memref_slice %arg7[%dma_start3A_517] : memref<272xi32, #tpu.memory_space<vmem>> -> memref<16xi32, #tpu.memory_space<vmem>>
      %dma_start3A_519 = arith.constant 0 : i32
      %dma_start3A_520 = arith.constant 0 : i32
      %dma_start3A_521 = tpu.memref_slice %arg2[%dma_start3A_519, %dma_start3A_520] : memref<100000x1024xf32, #tpu.memory_space<hbm>> -> memref<100000x1024xf32, #tpu.memory_space<hbm>>
      tpu.enqueue_indirect_dma source(%dma_start3A_521 : memref<100000x1024xf32, #tpu.memory_space<hbm>>) target(%arg9 : memref<16x1024xf32, #tpu.memory_space<vmem>>) offsets(%dma_start3A_518 : memref<16xi32, #tpu.memory_space<vmem>>) semaphore(%arg14 : memref<!tpu.dma_semaphore, #tpu.memory_space<semaphore_mem>>)
    } else {
    }
    %dma_wait3A_70 = arith.constant 96 : i32
    %dma_wait3A_71 = tpu.memref_slice %arg7[%dma_wait3A_70] : memref<272xi32, #tpu.memory_space<vmem>> -> memref<96xi32, #tpu.memory_space<vmem>>
    %dma_wait3A_72 = arith.constant 96 : i32
    %dma_wait3A_73 = tpu.memref_slice %arg6[%dma_wait3A_72] : memref<272xi32, #tpu.memory_space<vmem>> -> memref<96xi32, #tpu.memory_space<vmem>>
    %dma_wait3A_74 = arith.constant 0 : i32
    %dma_wait3A_75 = tpu.memref_slice %arg3[%dma_wait3A_74] : memref<8192xi32, #tpu.memory_space<hbm>> -> memref<8192xi32, #tpu.memory_space<hbm>>
    tpu.wait_indirect_dma semaphore(%arg11 : memref<!tpu.dma_semaphore, #tpu.memory_space<semaphore_mem>>) src(%dma_wait3A_75 : memref<8192xi32, #tpu.memory_space<hbm>>) dst(%dma_wait3A_71 : memref<96xi32, #tpu.memory_space<vmem>>)
    %dma_start3A_76 = arith.constant 1 : i32
    %dma_start3A_77 = arith.constant 0 : i32
    %dma_start3A_78 = arith.constant 0 : i32
    %dma_start3A_79 = tpu.memref_slice %arg8[%dma_start3A_76, %dma_start3A_77, %dma_start3A_78] : memref<2x32x1024xf32, #tpu.memory_space<vmem>> -> memref<1x32x1024xf32, #tpu.memory_space<vmem>>
    %dma_start3A_80 = tpu.memref_squeeze %dma_start3A_79 : memref<1x32x1024xf32, #tpu.memory_space<vmem>> -> memref<32x1024xf32, #tpu.memory_space<vmem>>
    %dma_start3A_81 = arith.constant 48 : i32
    %dma_start3A_82 = tpu.memref_slice %arg7[%dma_start3A_81] : memref<272xi32, #tpu.memory_space<vmem>> -> memref<32xi32, #tpu.memory_space<vmem>>
    %dma_start3A_83 = arith.constant 0 : i32
    %dma_start3A_84 = arith.constant 0 : i32
    %dma_start3A_85 = tpu.memref_slice %arg2[%dma_start3A_83, %dma_start3A_84] : memref<100000x1024xf32, #tpu.memory_space<hbm>> -> memref<100000x1024xf32, #tpu.memory_space<hbm>>
    tpu.enqueue_indirect_dma source(%dma_start3A_85 : memref<100000x1024xf32, #tpu.memory_space<hbm>>) target(%dma_start3A_80 : memref<32x1024xf32, #tpu.memory_space<vmem>>) offsets(%dma_start3A_82 : memref<32xi32, #tpu.memory_space<vmem>>) semaphore(%arg11 : memref<!tpu.dma_semaphore, #tpu.memory_space<semaphore_mem>>)
    %dma_wait3A_86 = arith.constant 0 : i32
    %dma_wait3A_87 = arith.constant 0 : i32
    %dma_wait3A_88 = arith.constant 0 : i32
    %dma_wait3A_89 = tpu.memref_slice %arg8[%dma_wait3A_86, %dma_wait3A_87, %dma_wait3A_88] : memref<2x32x1024xf32, #tpu.memory_space<vmem>> -> memref<1x32x1024xf32, #tpu.memory_space<vmem>>
    %dma_wait3A_90 = tpu.memref_squeeze %dma_wait3A_89 : memref<1x32x1024xf32, #tpu.memory_space<vmem>> -> memref<32x1024xf32, #tpu.memory_space<vmem>>
    %dma_wait3A_91 = arith.constant 16 : i32
    %dma_wait3A_92 = tpu.memref_slice %arg7[%dma_wait3A_91] : memref<272xi32, #tpu.memory_space<vmem>> -> memref<32xi32, #tpu.memory_space<vmem>>
    %dma_wait3A_93 = arith.constant 0 : i32
    %dma_wait3A_94 = arith.constant 0 : i32
    %dma_wait3A_95 = tpu.memref_slice %arg2[%dma_wait3A_93, %dma_wait3A_94] : memref<100000x1024xf32, #tpu.memory_space<hbm>> -> memref<100000x1024xf32, #tpu.memory_space<hbm>>
    tpu.wait_indirect_dma semaphore(%arg10 : memref<!tpu.dma_semaphore, #tpu.memory_space<semaphore_mem>>) src(%dma_wait3A_95 : memref<100000x1024xf32, #tpu.memory_space<hbm>>) dst(%dma_wait3A_90 : memref<32x1024xf32, #tpu.memory_space<vmem>>)
    %add3A_96 = arith.constant 16 : i32
    %add3A_97 = arith.addi %mul3A_32, %add3A_96 : i32
    %mul3A_98 = arith.constant 8 : i32
    %mul3A_99 = arith.muli %mul3A_98, %select_n3A_30 : i32
    %add3A_100 = arith.constant 0 : i32
    %add3A_101 = arith.addi %mul3A_99, %add3A_100 : i32
    %mul3A_102 = arith.constant 32 : i32
    %mul3A_103 = arith.muli %add3A_101, %mul3A_102 : i32
    %add3A_104 = arith.addi %add3A_97, %mul3A_103 : i32
    %dma_start3A_105 = arith.constant 0 : i32
    %dma_start3A_106 = arith.constant 0 : i32
    %dma_start3A_107 = arith.constant 0 : i32
    %dma_start3A_108 = tpu.memref_slice %arg8[%dma_start3A_105, %dma_start3A_106, %dma_start3A_107] : memref<2x32x1024xf32, #tpu.memory_space<vmem>> -> memref<1x32x1024xf32, #tpu.memory_space<vmem>>
    %dma_start3A_109 = tpu.memref_squeeze %dma_start3A_108 : memref<1x32x1024xf32, #tpu.memory_space<vmem>> -> memref<32x1024xf32, #tpu.memory_space<vmem>>
    %dma_start3A_110 = arith.constant 0 : i32
    %dma_start3A_111 = tpu.memref_slice %arg5[%add3A_104, %dma_start3A_110] : memref<8256x1024xf32, #tpu.memory_space<hbm>> -> memref<32x1024xf32, #tpu.memory_space<hbm>>
    %dma_start3A_112 = arith.constant 0 : i32
    %dma_start3A_113 = tpu.memref_slice %arg5[%add3A_104, %dma_start3A_112] : memref<8256x1024xf32, #tpu.memory_space<hbm>> -> memref<32x1024xf32, #tpu.memory_space<hbm>>
    %dma_start3A_114 = arith.constant 0 : i32
    %dma_start3A_115 = arith.constant 0 : i32
    %dma_start3A_116 = tpu.memref_slice %arg8[%dma_start3A_105, %dma_start3A_114, %dma_start3A_115] : memref<2x32x1024xf32, #tpu.memory_space<vmem>> -> memref<1x32x1024xf32, #tpu.memory_space<vmem>>
    %dma_start3A_117 = tpu.memref_squeeze %dma_start3A_116 : memref<1x32x1024xf32, #tpu.memory_space<vmem>> -> memref<32x1024xf32, #tpu.memory_space<vmem>>
    tpu.enqueue_dma source(%dma_start3A_117 : memref<32x1024xf32, #tpu.memory_space<vmem>>) target(%dma_start3A_113 : memref<32x1024xf32, #tpu.memory_space<hbm>>) target_semaphore(%arg12 : memref<!tpu.dma_semaphore, #tpu.memory_space<semaphore_mem>>)
    %dma_wait3A_118 = arith.constant 0 : i32
    %dma_wait3A_119 = arith.constant 0 : i32
    %dma_wait3A_120 = arith.constant 0 : i32
    %dma_wait3A_121 = tpu.memref_slice %arg8[%dma_wait3A_118, %dma_wait3A_119, %dma_wait3A_120] : memref<2x32x1024xf32, #tpu.memory_space<vmem>> -> memref<1x32x1024xf32, #tpu.memory_space<vmem>>
    %dma_wait3A_122 = tpu.memref_squeeze %dma_wait3A_121 : memref<1x32x1024xf32, #tpu.memory_space<vmem>> -> memref<32x1024xf32, #tpu.memory_space<vmem>>
    %dma_wait3A_123 = arith.constant 0 : i32
    %dma_wait3A_124 = tpu.memref_slice %arg5[%add3A_104, %dma_wait3A_123] : memref<8256x1024xf32, #tpu.memory_space<hbm>> -> memref<32x1024xf32, #tpu.memory_space<hbm>>
    %dma_wait3A_125 = arith.constant 0 : i32
    %dma_wait3A_126 = tpu.memref_slice %arg5[%add3A_104, %dma_wait3A_125] : memref<8256x1024xf32, #tpu.memory_space<hbm>> -> memref<32x1024xf32, #tpu.memory_space<hbm>>
    %dma_wait3A_127 = arith.constant 0 : i32
    %dma_wait3A_128 = arith.constant 0 : i32
    %dma_wait3A_129 = tpu.memref_slice %arg8[%dma_wait3A_118, %dma_wait3A_127, %dma_wait3A_128] : memref<2x32x1024xf32, #tpu.memory_space<vmem>> -> memref<1x32x1024xf32, #tpu.memory_space<vmem>>
    %dma_wait3A_130 = tpu.memref_squeeze %dma_wait3A_129 : memref<1x32x1024xf32, #tpu.memory_space<vmem>> -> memref<32x1024xf32, #tpu.memory_space<vmem>>
    tpu.wait_dma2 semaphore(%arg12 : memref<!tpu.dma_semaphore, #tpu.memory_space<semaphore_mem>>) src(%dma_wait3A_130 : memref<32x1024xf32, #tpu.memory_space<vmem>>) dst(%dma_wait3A_126 : memref<32x1024xf32, #tpu.memory_space<hbm>>)
    %dma_start3A_131 = arith.constant 0 : i32
    %dma_start3A_132 = arith.constant 0 : i32
    %dma_start3A_133 = arith.constant 0 : i32
    %dma_start3A_134 = tpu.memref_slice %arg8[%dma_start3A_131, %dma_start3A_132, %dma_start3A_133] : memref<2x32x1024xf32, #tpu.memory_space<vmem>> -> memref<1x32x1024xf32, #tpu.memory_space<vmem>>
    %dma_start3A_135 = tpu.memref_squeeze %dma_start3A_134 : memref<1x32x1024xf32, #tpu.memory_space<vmem>> -> memref<32x1024xf32, #tpu.memory_space<vmem>>
    %dma_start3A_136 = arith.constant 80 : i32
    %dma_start3A_137 = tpu.memref_slice %arg7[%dma_start3A_136] : memref<272xi32, #tpu.memory_space<vmem>> -> memref<32xi32, #tpu.memory_space<vmem>>
    %dma_start3A_138 = arith.constant 0 : i32
    %dma_start3A_139 = arith.constant 0 : i32
    %dma_start3A_140 = tpu.memref_slice %arg2[%dma_start3A_138, %dma_start3A_139] : memref<100000x1024xf32, #tpu.memory_space<hbm>> -> memref<100000x1024xf32, #tpu.memory_space<hbm>>
    tpu.enqueue_indirect_dma source(%dma_start3A_140 : memref<100000x1024xf32, #tpu.memory_space<hbm>>) target(%dma_start3A_135 : memref<32x1024xf32, #tpu.memory_space<vmem>>) offsets(%dma_start3A_137 : memref<32xi32, #tpu.memory_space<vmem>>) semaphore(%arg10 : memref<!tpu.dma_semaphore, #tpu.memory_space<semaphore_mem>>)
    %dma_wait3A_141 = arith.constant 1 : i32
    %dma_wait3A_142 = arith.constant 0 : i32
    %dma_wait3A_143 = arith.constant 0 : i32
    %dma_wait3A_144 = tpu.memref_slice %arg8[%dma_wait3A_141, %dma_wait3A_142, %dma_wait3A_143] : memref<2x32x1024xf32, #tpu.memory_space<vmem>> -> memref<1x32x1024xf32, #tpu.memory_space<vmem>>
    %dma_wait3A_145 = tpu.memref_squeeze %dma_wait3A_144 : memref<1x32x1024xf32, #tpu.memory_space<vmem>> -> memref<32x1024xf32, #tpu.memory_space<vmem>>
    %dma_wait3A_146 = arith.constant 48 : i32
    %dma_wait3A_147 = tpu.memref_slice %arg7[%dma_wait3A_146] : memref<272xi32, #tpu.memory_space<vmem>> -> memref<32xi32, #tpu.memory_space<vmem>>
    %dma_wait3A_148 = arith.constant 0 : i32
    %dma_wait3A_149 = arith.constant 0 : i32
    %dma_wait3A_150 = tpu.memref_slice %arg2[%dma_wait3A_148, %dma_wait3A_149] : memref<100000x1024xf32, #tpu.memory_space<hbm>> -> memref<100000x1024xf32, #tpu.memory_space<hbm>>
    tpu.wait_indirect_dma semaphore(%arg11 : memref<!tpu.dma_semaphore, #tpu.memory_space<semaphore_mem>>) src(%dma_wait3A_150 : memref<100000x1024xf32, #tpu.memory_space<hbm>>) dst(%dma_wait3A_145 : memref<32x1024xf32, #tpu.memory_space<vmem>>)
    %add3A_151 = arith.constant 16 : i32
    %add3A_152 = arith.addi %mul3A_32, %add3A_151 : i32
    %mul3A_153 = arith.constant 8 : i32
    %mul3A_154 = arith.muli %mul3A_153, %select_n3A_30 : i32
    %add3A_155 = arith.constant 1 : i32
    %add3A_156 = arith.addi %mul3A_154, %add3A_155 : i32
    %mul3A_157 = arith.constant 32 : i32
    %mul3A_158 = arith.muli %add3A_156, %mul3A_157 : i32
    %add3A_159 = arith.addi %add3A_152, %mul3A_158 : i32
    %dma_start3A_160 = arith.constant 1 : i32
    %dma_start3A_161 = arith.constant 0 : i32
    %dma_start3A_162 = arith.constant 0 : i32
    %dma_start3A_163 = tpu.memref_slice %arg8[%dma_start3A_160, %dma_start3A_161, %dma_start3A_162] : memref<2x32x1024xf32, #tpu.memory_space<vmem>> -> memref<1x32x1024xf32, #tpu.memory_space<vmem>>
    %dma_start3A_164 = tpu.memref_squeeze %dma_start3A_163 : memref<1x32x1024xf32, #tpu.memory_space<vmem>> -> memref<32x1024xf32, #tpu.memory_space<vmem>>
    %dma_start3A_165 = arith.constant 0 : i32
    %dma_start3A_166 = tpu.memref_slice %arg5[%add3A_159, %dma_start3A_165] : memref<8256x1024xf32, #tpu.memory_space<hbm>> -> memref<32x1024xf32, #tpu.memory_space<hbm>>
    %dma_start3A_167 = arith.constant 0 : i32
    %dma_start3A_168 = tpu.memref_slice %arg5[%add3A_159, %dma_start3A_167] : memref<8256x1024xf32, #tpu.memory_space<hbm>> -> memref<32x1024xf32, #tpu.memory_space<hbm>>
    %dma_start3A_169 = arith.constant 0 : i32
    %dma_start3A_170 = arith.constant 0 : i32
    %dma_start3A_171 = tpu.memref_slice %arg8[%dma_start3A_160, %dma_start3A_169, %dma_start3A_170] : memref<2x32x1024xf32, #tpu.memory_space<vmem>> -> memref<1x32x1024xf32, #tpu.memory_space<vmem>>
    %dma_start3A_172 = tpu.memref_squeeze %dma_start3A_171 : memref<1x32x1024xf32, #tpu.memory_space<vmem>> -> memref<32x1024xf32, #tpu.memory_space<vmem>>
    tpu.enqueue_dma source(%dma_start3A_172 : memref<32x1024xf32, #tpu.memory_space<vmem>>) target(%dma_start3A_168 : memref<32x1024xf32, #tpu.memory_space<hbm>>) target_semaphore(%arg13 : memref<!tpu.dma_semaphore, #tpu.memory_space<semaphore_mem>>)
    %dma_wait3A_173 = arith.constant 1 : i32
    %dma_wait3A_174 = arith.constant 0 : i32
    %dma_wait3A_175 = arith.constant 0 : i32
    %dma_wait3A_176 = tpu.memref_slice %arg8[%dma_wait3A_173, %dma_wait3A_174, %dma_wait3A_175] : memref<2x32x1024xf32, #tpu.memory_space<vmem>> -> memref<1x32x1024xf32, #tpu.memory_space<vmem>>
    %dma_wait3A_177 = tpu.memref_squeeze %dma_wait3A_176 : memref<1x32x1024xf32, #tpu.memory_space<vmem>> -> memref<32x1024xf32, #tpu.memory_space<vmem>>
    %dma_wait3A_178 = arith.constant 0 : i32
    %dma_wait3A_179 = tpu.memref_slice %arg5[%add3A_159, %dma_wait3A_178] : memref<8256x1024xf32, #tpu.memory_space<hbm>> -> memref<32x1024xf32, #tpu.memory_space<hbm>>
    %dma_wait3A_180 = arith.constant 0 : i32
    %dma_wait3A_181 = tpu.memref_slice %arg5[%add3A_159, %dma_wait3A_180] : memref<8256x1024xf32, #tpu.memory_space<hbm>> -> memref<32x1024xf32, #tpu.memory_space<hbm>>
    %dma_wait3A_182 = arith.constant 0 : i32
    %dma_wait3A_183 = arith.constant 0 : i32
    %dma_wait3A_184 = tpu.memref_slice %arg8[%dma_wait3A_173, %dma_wait3A_182, %dma_wait3A_183] : memref<2x32x1024xf32, #tpu.memory_space<vmem>> -> memref<1x32x1024xf32, #tpu.memory_space<vmem>>
    %dma_wait3A_185 = tpu.memref_squeeze %dma_wait3A_184 : memref<1x32x1024xf32, #tpu.memory_space<vmem>> -> memref<32x1024xf32, #tpu.memory_space<vmem>>
    tpu.wait_dma2 semaphore(%arg13 : memref<!tpu.dma_semaphore, #tpu.memory_space<semaphore_mem>>) src(%dma_wait3A_185 : memref<32x1024xf32, #tpu.memory_space<vmem>>) dst(%dma_wait3A_181 : memref<32x1024xf32, #tpu.memory_space<hbm>>)
    %dma_start3A_186 = arith.constant 1 : i32
    %dma_start3A_187 = arith.constant 0 : i32
    %dma_start3A_188 = arith.constant 0 : i32
    %dma_start3A_189 = tpu.memref_slice %arg8[%dma_start3A_186, %dma_start3A_187, %dma_start3A_188] : memref<2x32x1024xf32, #tpu.memory_space<vmem>> -> memref<1x32x1024xf32, #tpu.memory_space<vmem>>
    %dma_start3A_190 = tpu.memref_squeeze %dma_start3A_189 : memref<1x32x1024xf32, #tpu.memory_space<vmem>> -> memref<32x1024xf32, #tpu.memory_space<vmem>>
    %dma_start3A_191 = arith.constant 112 : i32
    %dma_start3A_192 = tpu.memref_slice %arg7[%dma_start3A_191] : memref<272xi32, #tpu.memory_space<vmem>> -> memref<32xi32, #tpu.memory_space<vmem>>
    %dma_start3A_193 = arith.constant 0 : i32
    %dma_start3A_194 = arith.constant 0 : i32
    %dma_start3A_195 = tpu.memref_slice %arg2[%dma_start3A_193, %dma_start3A_194] : memref<100000x1024xf32, #tpu.memory_space<hbm>> -> memref<100000x1024xf32, #tpu.memory_space<hbm>>
    tpu.enqueue_indirect_dma source(%dma_start3A_195 : memref<100000x1024xf32, #tpu.memory_space<hbm>>) target(%dma_start3A_190 : memref<32x1024xf32, #tpu.memory_space<vmem>>) offsets(%dma_start3A_192 : memref<32xi32, #tpu.memory_space<vmem>>) semaphore(%arg11 : memref<!tpu.dma_semaphore, #tpu.memory_space<semaphore_mem>>)
    %dma_wait3A_196 = arith.constant 0 : i32
    %dma_wait3A_197 = arith.constant 0 : i32
    %dma_wait3A_198 = arith.constant 0 : i32
    %dma_wait3A_199 = tpu.memref_slice %arg8[%dma_wait3A_196, %dma_wait3A_197, %dma_wait3A_198] : memref<2x32x1024xf32, #tpu.memory_space<vmem>> -> memref<1x32x1024xf32, #tpu.memory_space<vmem>>
    %dma_wait3A_200 = tpu.memref_squeeze %dma_wait3A_199 : memref<1x32x1024xf32, #tpu.memory_space<vmem>> -> memref<32x1024xf32, #tpu.memory_space<vmem>>
    %dma_wait3A_201 = arith.constant 80 : i32
    %dma_wait3A_202 = tpu.memref_slice %arg7[%dma_wait3A_201] : memref<272xi32, #tpu.memory_space<vmem>> -> memref<32xi32, #tpu.memory_space<vmem>>
    %dma_wait3A_203 = arith.constant 0 : i32
    %dma_wait3A_204 = arith.constant 0 : i32
    %dma_wait3A_205 = tpu.memref_slice %arg2[%dma_wait3A_203, %dma_wait3A_204] : memref<100000x1024xf32, #tpu.memory_space<hbm>> -> memref<100000x1024xf32, #tpu.memory_space<hbm>>
    tpu.wait_indirect_dma semaphore(%arg10 : memref<!tpu.dma_semaphore, #tpu.memory_space<semaphore_mem>>) src(%dma_wait3A_205 : memref<100000x1024xf32, #tpu.memory_space<hbm>>) dst(%dma_wait3A_200 : memref<32x1024xf32, #tpu.memory_space<vmem>>)
    %add3A_206 = arith.constant 16 : i32
    %add3A_207 = arith.addi %mul3A_32, %add3A_206 : i32
    %mul3A_208 = arith.constant 8 : i32
    %mul3A_209 = arith.muli %mul3A_208, %select_n3A_30 : i32
    %add3A_210 = arith.constant 2 : i32
    %add3A_211 = arith.addi %mul3A_209, %add3A_210 : i32
    %mul3A_212 = arith.constant 32 : i32
    %mul3A_213 = arith.muli %add3A_211, %mul3A_212 : i32
    %add3A_214 = arith.addi %add3A_207, %mul3A_213 : i32
    %dma_start3A_215 = arith.constant 0 : i32
    %dma_start3A_216 = arith.constant 0 : i32
    %dma_start3A_217 = arith.constant 0 : i32
    %dma_start3A_218 = tpu.memref_slice %arg8[%dma_start3A_215, %dma_start3A_216, %dma_start3A_217] : memref<2x32x1024xf32, #tpu.memory_space<vmem>> -> memref<1x32x1024xf32, #tpu.memory_space<vmem>>
    %dma_start3A_219 = tpu.memref_squeeze %dma_start3A_218 : memref<1x32x1024xf32, #tpu.memory_space<vmem>> -> memref<32x1024xf32, #tpu.memory_space<vmem>>
    %dma_start3A_220 = arith.constant 0 : i32
    %dma_start3A_221 = tpu.memref_slice %arg5[%add3A_214, %dma_start3A_220] : memref<8256x1024xf32, #tpu.memory_space<hbm>> -> memref<32x1024xf32, #tpu.memory_space<hbm>>
    %dma_start3A_222 = arith.constant 0 : i32
    %dma_start3A_223 = tpu.memref_slice %arg5[%add3A_214, %dma_start3A_222] : memref<8256x1024xf32, #tpu.memory_space<hbm>> -> memref<32x1024xf32, #tpu.memory_space<hbm>>
    %dma_start3A_224 = arith.constant 0 : i32
    %dma_start3A_225 = arith.constant 0 : i32
    %dma_start3A_226 = tpu.memref_slice %arg8[%dma_start3A_215, %dma_start3A_224, %dma_start3A_225] : memref<2x32x1024xf32, #tpu.memory_space<vmem>> -> memref<1x32x1024xf32, #tpu.memory_space<vmem>>
    %dma_start3A_227 = tpu.memref_squeeze %dma_start3A_226 : memref<1x32x1024xf32, #tpu.memory_space<vmem>> -> memref<32x1024xf32, #tpu.memory_space<vmem>>
    tpu.enqueue_dma source(%dma_start3A_227 : memref<32x1024xf32, #tpu.memory_space<vmem>>) target(%dma_start3A_223 : memref<32x1024xf32, #tpu.memory_space<hbm>>) target_semaphore(%arg12 : memref<!tpu.dma_semaphore, #tpu.memory_space<semaphore_mem>>)
    %dma_wait3A_228 = arith.constant 0 : i32
    %dma_wait3A_229 = arith.constant 0 : i32
    %dma_wait3A_230 = arith.constant 0 : i32
    %dma_wait3A_231 = tpu.memref_slice %arg8[%dma_wait3A_228, %dma_wait3A_229, %dma_wait3A_230] : memref<2x32x1024xf32, #tpu.memory_space<vmem>> -> memref<1x32x1024xf32, #tpu.memory_space<vmem>>
    %dma_wait3A_232 = tpu.memref_squeeze %dma_wait3A_231 : memref<1x32x1024xf32, #tpu.memory_space<vmem>> -> memref<32x1024xf32, #tpu.memory_space<vmem>>
    %dma_wait3A_233 = arith.constant 0 : i32
    %dma_wait3A_234 = tpu.memref_slice %arg5[%add3A_214, %dma_wait3A_233] : memref<8256x1024xf32, #tpu.memory_space<hbm>> -> memref<32x1024xf32, #tpu.memory_space<hbm>>
    %dma_wait3A_235 = arith.constant 0 : i32
    %dma_wait3A_236 = tpu.memref_slice %arg5[%add3A_214, %dma_wait3A_235] : memref<8256x1024xf32, #tpu.memory_space<hbm>> -> memref<32x1024xf32, #tpu.memory_space<hbm>>
    %dma_wait3A_237 = arith.constant 0 : i32
    %dma_wait3A_238 = arith.constant 0 : i32
    %dma_wait3A_239 = tpu.memref_slice %arg8[%dma_wait3A_228, %dma_wait3A_237, %dma_wait3A_238] : memref<2x32x1024xf32, #tpu.memory_space<vmem>> -> memref<1x32x1024xf32, #tpu.memory_space<vmem>>
    %dma_wait3A_240 = tpu.memref_squeeze %dma_wait3A_239 : memref<1x32x1024xf32, #tpu.memory_space<vmem>> -> memref<32x1024xf32, #tpu.memory_space<vmem>>
    tpu.wait_dma2 semaphore(%arg12 : memref<!tpu.dma_semaphore, #tpu.memory_space<semaphore_mem>>) src(%dma_wait3A_240 : memref<32x1024xf32, #tpu.memory_space<vmem>>) dst(%dma_wait3A_236 : memref<32x1024xf32, #tpu.memory_space<hbm>>)
    %dma_start3A_241 = arith.constant 0 : i32
    %dma_start3A_242 = arith.constant 0 : i32
    %dma_start3A_243 = arith.constant 0 : i32
    %dma_start3A_244 = tpu.memref_slice %arg8[%dma_start3A_241, %dma_start3A_242, %dma_start3A_243] : memref<2x32x1024xf32, #tpu.memory_space<vmem>> -> memref<1x32x1024xf32, #tpu.memory_space<vmem>>
    %dma_start3A_245 = tpu.memref_squeeze %dma_start3A_244 : memref<1x32x1024xf32, #tpu.memory_space<vmem>> -> memref<32x1024xf32, #tpu.memory_space<vmem>>
    %dma_start3A_246 = arith.constant 144 : i32
    %dma_start3A_247 = tpu.memref_slice %arg7[%dma_start3A_246] : memref<272xi32, #tpu.memory_space<vmem>> -> memref<32xi32, #tpu.memory_space<vmem>>
    %dma_start3A_248 = arith.constant 0 : i32
    %dma_start3A_249 = arith.constant 0 : i32
    %dma_start3A_250 = tpu.memref_slice %arg2[%dma_start3A_248, %dma_start3A_249] : memref<100000x1024xf32, #tpu.memory_space<hbm>> -> memref<100000x1024xf32, #tpu.memory_space<hbm>>
    tpu.enqueue_indirect_dma source(%dma_start3A_250 : memref<100000x1024xf32, #tpu.memory_space<hbm>>) target(%dma_start3A_245 : memref<32x1024xf32, #tpu.memory_space<vmem>>) offsets(%dma_start3A_247 : memref<32xi32, #tpu.memory_space<vmem>>) semaphore(%arg10 : memref<!tpu.dma_semaphore, #tpu.memory_space<semaphore_mem>>)
    %dma_wait3A_251 = arith.constant 1 : i32
    %dma_wait3A_252 = arith.constant 0 : i32
    %dma_wait3A_253 = arith.constant 0 : i32
    %dma_wait3A_254 = tpu.memref_slice %arg8[%dma_wait3A_251, %dma_wait3A_252, %dma_wait3A_253] : memref<2x32x1024xf32, #tpu.memory_space<vmem>> -> memref<1x32x1024xf32, #tpu.memory_space<vmem>>
    %dma_wait3A_255 = tpu.memref_squeeze %dma_wait3A_254 : memref<1x32x1024xf32, #tpu.memory_space<vmem>> -> memref<32x1024xf32, #tpu.memory_space<vmem>>
    %dma_wait3A_256 = arith.constant 112 : i32
    %dma_wait3A_257 = tpu.memref_slice %arg7[%dma_wait3A_256] : memref<272xi32, #tpu.memory_space<vmem>> -> memref<32xi32, #tpu.memory_space<vmem>>
    %dma_wait3A_258 = arith.constant 0 : i32
    %dma_wait3A_259 = arith.constant 0 : i32
    %dma_wait3A_260 = tpu.memref_slice %arg2[%dma_wait3A_258, %dma_wait3A_259] : memref<100000x1024xf32, #tpu.memory_space<hbm>> -> memref<100000x1024xf32, #tpu.memory_space<hbm>>
    tpu.wait_indirect_dma semaphore(%arg11 : memref<!tpu.dma_semaphore, #tpu.memory_space<semaphore_mem>>) src(%dma_wait3A_260 : memref<100000x1024xf32, #tpu.memory_space<hbm>>) dst(%dma_wait3A_255 : memref<32x1024xf32, #tpu.memory_space<vmem>>)
    %add3A_261 = arith.constant 16 : i32
    %add3A_262 = arith.addi %mul3A_32, %add3A_261 : i32
    %mul3A_263 = arith.constant 8 : i32
    %mul3A_264 = arith.muli %mul3A_263, %select_n3A_30 : i32
    %add3A_265 = arith.constant 3 : i32
    %add3A_266 = arith.addi %mul3A_264, %add3A_265 : i32
    %mul3A_267 = arith.constant 32 : i32
    %mul3A_268 = arith.muli %add3A_266, %mul3A_267 : i32
    %add3A_269 = arith.addi %add3A_262, %mul3A_268 : i32
    %dma_start3A_270 = arith.constant 1 : i32
    %dma_start3A_271 = arith.constant 0 : i32
    %dma_start3A_272 = arith.constant 0 : i32
    %dma_start3A_273 = tpu.memref_slice %arg8[%dma_start3A_270, %dma_start3A_271, %dma_start3A_272] : memref<2x32x1024xf32, #tpu.memory_space<vmem>> -> memref<1x32x1024xf32, #tpu.memory_space<vmem>>
    %dma_start3A_274 = tpu.memref_squeeze %dma_start3A_273 : memref<1x32x1024xf32, #tpu.memory_space<vmem>> -> memref<32x1024xf32, #tpu.memory_space<vmem>>
    %dma_start3A_275 = arith.constant 0 : i32
    %dma_start3A_276 = tpu.memref_slice %arg5[%add3A_269, %dma_start3A_275] : memref<8256x1024xf32, #tpu.memory_space<hbm>> -> memref<32x1024xf32, #tpu.memory_space<hbm>>
    %dma_start3A_277 = arith.constant 0 : i32
    %dma_start3A_278 = tpu.memref_slice %arg5[%add3A_269, %dma_start3A_277] : memref<8256x1024xf32, #tpu.memory_space<hbm>> -> memref<32x1024xf32, #tpu.memory_space<hbm>>
    %dma_start3A_279 = arith.constant 0 : i32
    %dma_start3A_280 = arith.constant 0 : i32
    %dma_start3A_281 = tpu.memref_slice %arg8[%dma_start3A_270, %dma_start3A_279, %dma_start3A_280] : memref<2x32x1024xf32, #tpu.memory_space<vmem>> -> memref<1x32x1024xf32, #tpu.memory_space<vmem>>
    %dma_start3A_282 = tpu.memref_squeeze %dma_start3A_281 : memref<1x32x1024xf32, #tpu.memory_space<vmem>> -> memref<32x1024xf32, #tpu.memory_space<vmem>>
    tpu.enqueue_dma source(%dma_start3A_282 : memref<32x1024xf32, #tpu.memory_space<vmem>>) target(%dma_start3A_278 : memref<32x1024xf32, #tpu.memory_space<hbm>>) target_semaphore(%arg13 : memref<!tpu.dma_semaphore, #tpu.memory_space<semaphore_mem>>)
    %dma_wait3A_283 = arith.constant 192 : i32
    %dma_wait3A_284 = tpu.memref_slice %arg7[%dma_wait3A_283] : memref<272xi32, #tpu.memory_space<vmem>> -> memref<80xi32, #tpu.memory_space<vmem>>
    %dma_wait3A_285 = arith.constant 192 : i32
    %dma_wait3A_286 = tpu.memref_slice %arg6[%dma_wait3A_285] : memref<272xi32, #tpu.memory_space<vmem>> -> memref<80xi32, #tpu.memory_space<vmem>>
    %dma_wait3A_287 = arith.constant 0 : i32
    %dma_wait3A_288 = tpu.memref_slice %arg3[%dma_wait3A_287] : memref<8192xi32, #tpu.memory_space<hbm>> -> memref<8192xi32, #tpu.memory_space<hbm>>
    tpu.wait_indirect_dma semaphore(%arg12 : memref<!tpu.dma_semaphore, #tpu.memory_space<semaphore_mem>>) src(%dma_wait3A_288 : memref<8192xi32, #tpu.memory_space<hbm>>) dst(%dma_wait3A_284 : memref<80xi32, #tpu.memory_space<vmem>>)
    %dma_wait3A_289 = arith.constant 1 : i32
    %dma_wait3A_290 = arith.constant 0 : i32
    %dma_wait3A_291 = arith.constant 0 : i32
    %dma_wait3A_292 = tpu.memref_slice %arg8[%dma_wait3A_289, %dma_wait3A_290, %dma_wait3A_291] : memref<2x32x1024xf32, #tpu.memory_space<vmem>> -> memref<1x32x1024xf32, #tpu.memory_space<vmem>>
    %dma_wait3A_293 = tpu.memref_squeeze %dma_wait3A_292 : memref<1x32x1024xf32, #tpu.memory_space<vmem>> -> memref<32x1024xf32, #tpu.memory_space<vmem>>
    %dma_wait3A_294 = arith.constant 0 : i32
    %dma_wait3A_295 = tpu.memref_slice %arg5[%add3A_269, %dma_wait3A_294] : memref<8256x1024xf32, #tpu.memory_space<hbm>> -> memref<32x1024xf32, #tpu.memory_space<hbm>>
    %dma_wait3A_296 = arith.constant 0 : i32
    %dma_wait3A_297 = tpu.memref_slice %arg5[%add3A_269, %dma_wait3A_296] : memref<8256x1024xf32, #tpu.memory_space<hbm>> -> memref<32x1024xf32, #tpu.memory_space<hbm>>
    %dma_wait3A_298 = arith.constant 0 : i32
    %dma_wait3A_299 = arith.constant 0 : i32
    %dma_wait3A_300 = tpu.memref_slice %arg8[%dma_wait3A_289, %dma_wait3A_298, %dma_wait3A_299] : memref<2x32x1024xf32, #tpu.memory_space<vmem>> -> memref<1x32x1024xf32, #tpu.memory_space<vmem>>
    %dma_wait3A_301 = tpu.memref_squeeze %dma_wait3A_300 : memref<1x32x1024xf32, #tpu.memory_space<vmem>> -> memref<32x1024xf32, #tpu.memory_space<vmem>>
    tpu.wait_dma2 semaphore(%arg13 : memref<!tpu.dma_semaphore, #tpu.memory_space<semaphore_mem>>) src(%dma_wait3A_301 : memref<32x1024xf32, #tpu.memory_space<vmem>>) dst(%dma_wait3A_297 : memref<32x1024xf32, #tpu.memory_space<hbm>>)
    %dma_start3A_302 = arith.constant 1 : i32
    %dma_start3A_303 = arith.constant 0 : i32
    %dma_start3A_304 = arith.constant 0 : i32
    %dma_start3A_305 = tpu.memref_slice %arg8[%dma_start3A_302, %dma_start3A_303, %dma_start3A_304] : memref<2x32x1024xf32, #tpu.memory_space<vmem>> -> memref<1x32x1024xf32, #tpu.memory_space<vmem>>
    %dma_start3A_306 = tpu.memref_squeeze %dma_start3A_305 : memref<1x32x1024xf32, #tpu.memory_space<vmem>> -> memref<32x1024xf32, #tpu.memory_space<vmem>>
    %dma_start3A_307 = arith.constant 176 : i32
    %dma_start3A_308 = tpu.memref_slice %arg7[%dma_start3A_307] : memref<272xi32, #tpu.memory_space<vmem>> -> memref<32xi32, #tpu.memory_space<vmem>>
    %dma_start3A_309 = arith.constant 0 : i32
    %dma_start3A_310 = arith.constant 0 : i32
    %dma_start3A_311 = tpu.memref_slice %arg2[%dma_start3A_309, %dma_start3A_310] : memref<100000x1024xf32, #tpu.memory_space<hbm>> -> memref<100000x1024xf32, #tpu.memory_space<hbm>>
    tpu.enqueue_indirect_dma source(%dma_start3A_311 : memref<100000x1024xf32, #tpu.memory_space<hbm>>) target(%dma_start3A_306 : memref<32x1024xf32, #tpu.memory_space<vmem>>) offsets(%dma_start3A_308 : memref<32xi32, #tpu.memory_space<vmem>>) semaphore(%arg11 : memref<!tpu.dma_semaphore, #tpu.memory_space<semaphore_mem>>)
    %dma_wait3A_312 = arith.constant 0 : i32
    %dma_wait3A_313 = arith.constant 0 : i32
    %dma_wait3A_314 = arith.constant 0 : i32
    %dma_wait3A_315 = tpu.memref_slice %arg8[%dma_wait3A_312, %dma_wait3A_313, %dma_wait3A_314] : memref<2x32x1024xf32, #tpu.memory_space<vmem>> -> memref<1x32x1024xf32, #tpu.memory_space<vmem>>
    %dma_wait3A_316 = tpu.memref_squeeze %dma_wait3A_315 : memref<1x32x1024xf32, #tpu.memory_space<vmem>> -> memref<32x1024xf32, #tpu.memory_space<vmem>>
    %dma_wait3A_317 = arith.constant 144 : i32
    %dma_wait3A_318 = tpu.memref_slice %arg7[%dma_wait3A_317] : memref<272xi32, #tpu.memory_space<vmem>> -> memref<32xi32, #tpu.memory_space<vmem>>
    %dma_wait3A_319 = arith.constant 0 : i32
    %dma_wait3A_320 = arith.constant 0 : i32
    %dma_wait3A_321 = tpu.memref_slice %arg2[%dma_wait3A_319, %dma_wait3A_320] : memref<100000x1024xf32, #tpu.memory_space<hbm>> -> memref<100000x1024xf32, #tpu.memory_space<hbm>>
    tpu.wait_indirect_dma semaphore(%arg10 : memref<!tpu.dma_semaphore, #tpu.memory_space<semaphore_mem>>) src(%dma_wait3A_321 : memref<100000x1024xf32, #tpu.memory_space<hbm>>) dst(%dma_wait3A_316 : memref<32x1024xf32, #tpu.memory_space<vmem>>)
    %add3A_322 = arith.constant 16 : i32
    %add3A_323 = arith.addi %mul3A_32, %add3A_322 : i32
    %mul3A_324 = arith.constant 8 : i32
    %mul3A_325 = arith.muli %mul3A_324, %select_n3A_30 : i32
    %add3A_326 = arith.constant 4 : i32
    %add3A_327 = arith.addi %mul3A_325, %add3A_326 : i32
    %mul3A_328 = arith.constant 32 : i32
    %mul3A_329 = arith.muli %add3A_327, %mul3A_328 : i32
    %add3A_330 = arith.addi %add3A_323, %mul3A_329 : i32
    %dma_start3A_331 = arith.constant 0 : i32
    %dma_start3A_332 = arith.constant 0 : i32
    %dma_start3A_333 = arith.constant 0 : i32
    %dma_start3A_334 = tpu.memref_slice %arg8[%dma_start3A_331, %dma_start3A_332, %dma_start3A_333] : memref<2x32x1024xf32, #tpu.memory_space<vmem>> -> memref<1x32x1024xf32, #tpu.memory_space<vmem>>
    %dma_start3A_335 = tpu.memref_squeeze %dma_start3A_334 : memref<1x32x1024xf32, #tpu.memory_space<vmem>> -> memref<32x1024xf32, #tpu.memory_space<vmem>>
    %dma_start3A_336 = arith.constant 0 : i32
    %dma_start3A_337 = tpu.memref_slice %arg5[%add3A_330, %dma_start3A_336] : memref<8256x1024xf32, #tpu.memory_space<hbm>> -> memref<32x1024xf32, #tpu.memory_space<hbm>>
    %dma_start3A_338 = arith.constant 0 : i32
    %dma_start3A_339 = tpu.memref_slice %arg5[%add3A_330, %dma_start3A_338] : memref<8256x1024xf32, #tpu.memory_space<hbm>> -> memref<32x1024xf32, #tpu.memory_space<hbm>>
    %dma_start3A_340 = arith.constant 0 : i32
    %dma_start3A_341 = arith.constant 0 : i32
    %dma_start3A_342 = tpu.memref_slice %arg8[%dma_start3A_331, %dma_start3A_340, %dma_start3A_341] : memref<2x32x1024xf32, #tpu.memory_space<vmem>> -> memref<1x32x1024xf32, #tpu.memory_space<vmem>>
    %dma_start3A_343 = tpu.memref_squeeze %dma_start3A_342 : memref<1x32x1024xf32, #tpu.memory_space<vmem>> -> memref<32x1024xf32, #tpu.memory_space<vmem>>
    tpu.enqueue_dma source(%dma_start3A_343 : memref<32x1024xf32, #tpu.memory_space<vmem>>) target(%dma_start3A_339 : memref<32x1024xf32, #tpu.memory_space<hbm>>) target_semaphore(%arg12 : memref<!tpu.dma_semaphore, #tpu.memory_space<semaphore_mem>>)
    %dma_wait3A_344 = arith.constant 0 : i32
    %dma_wait3A_345 = arith.constant 0 : i32
    %dma_wait3A_346 = arith.constant 0 : i32
    %dma_wait3A_347 = tpu.memref_slice %arg8[%dma_wait3A_344, %dma_wait3A_345, %dma_wait3A_346] : memref<2x32x1024xf32, #tpu.memory_space<vmem>> -> memref<1x32x1024xf32, #tpu.memory_space<vmem>>
    %dma_wait3A_348 = tpu.memref_squeeze %dma_wait3A_347 : memref<1x32x1024xf32, #tpu.memory_space<vmem>> -> memref<32x1024xf32, #tpu.memory_space<vmem>>
    %dma_wait3A_349 = arith.constant 0 : i32
    %dma_wait3A_350 = tpu.memref_slice %arg5[%add3A_330, %dma_wait3A_349] : memref<8256x1024xf32, #tpu.memory_space<hbm>> -> memref<32x1024xf32, #tpu.memory_space<hbm>>
    %dma_wait3A_351 = arith.constant 0 : i32
    %dma_wait3A_352 = tpu.memref_slice %arg5[%add3A_330, %dma_wait3A_351] : memref<8256x1024xf32, #tpu.memory_space<hbm>> -> memref<32x1024xf32, #tpu.memory_space<hbm>>
    %dma_wait3A_353 = arith.constant 0 : i32
    %dma_wait3A_354 = arith.constant 0 : i32
    %dma_wait3A_355 = tpu.memref_slice %arg8[%dma_wait3A_344, %dma_wait3A_353, %dma_wait3A_354] : memref<2x32x1024xf32, #tpu.memory_space<vmem>> -> memref<1x32x1024xf32, #tpu.memory_space<vmem>>
    %dma_wait3A_356 = tpu.memref_squeeze %dma_wait3A_355 : memref<1x32x1024xf32, #tpu.memory_space<vmem>> -> memref<32x1024xf32, #tpu.memory_space<vmem>>
    tpu.wait_dma2 semaphore(%arg12 : memref<!tpu.dma_semaphore, #tpu.memory_space<semaphore_mem>>) src(%dma_wait3A_356 : memref<32x1024xf32, #tpu.memory_space<vmem>>) dst(%dma_wait3A_352 : memref<32x1024xf32, #tpu.memory_space<hbm>>)
    %dma_start3A_357 = arith.constant 0 : i32
    %dma_start3A_358 = arith.constant 0 : i32
    %dma_start3A_359 = arith.constant 0 : i32
    %dma_start3A_360 = tpu.memref_slice %arg8[%dma_start3A_357, %dma_start3A_358, %dma_start3A_359] : memref<2x32x1024xf32, #tpu.memory_space<vmem>> -> memref<1x32x1024xf32, #tpu.memory_space<vmem>>
    %dma_start3A_361 = tpu.memref_squeeze %dma_start3A_360 : memref<1x32x1024xf32, #tpu.memory_space<vmem>> -> memref<32x1024xf32, #tpu.memory_space<vmem>>
    %dma_start3A_362 = arith.constant 208 : i32
    %dma_start3A_363 = tpu.memref_slice %arg7[%dma_start3A_362] : memref<272xi32, #tpu.memory_space<vmem>> -> memref<32xi32, #tpu.memory_space<vmem>>
    %dma_start3A_364 = arith.constant 0 : i32
    %dma_start3A_365 = arith.constant 0 : i32
    %dma_start3A_366 = tpu.memref_slice %arg2[%dma_start3A_364, %dma_start3A_365] : memref<100000x1024xf32, #tpu.memory_space<hbm>> -> memref<100000x1024xf32, #tpu.memory_space<hbm>>
    tpu.enqueue_indirect_dma source(%dma_start3A_366 : memref<100000x1024xf32, #tpu.memory_space<hbm>>) target(%dma_start3A_361 : memref<32x1024xf32, #tpu.memory_space<vmem>>) offsets(%dma_start3A_363 : memref<32xi32, #tpu.memory_space<vmem>>) semaphore(%arg10 : memref<!tpu.dma_semaphore, #tpu.memory_space<semaphore_mem>>)
    %dma_wait3A_367 = arith.constant 1 : i32
    %dma_wait3A_368 = arith.constant 0 : i32
    %dma_wait3A_369 = arith.constant 0 : i32
    %dma_wait3A_370 = tpu.memref_slice %arg8[%dma_wait3A_367, %dma_wait3A_368, %dma_wait3A_369] : memref<2x32x1024xf32, #tpu.memory_space<vmem>> -> memref<1x32x1024xf32, #tpu.memory_space<vmem>>
    %dma_wait3A_371 = tpu.memref_squeeze %dma_wait3A_370 : memref<1x32x1024xf32, #tpu.memory_space<vmem>> -> memref<32x1024xf32, #tpu.memory_space<vmem>>
    %dma_wait3A_372 = arith.constant 176 : i32
    %dma_wait3A_373 = tpu.memref_slice %arg7[%dma_wait3A_372] : memref<272xi32, #tpu.memory_space<vmem>> -> memref<32xi32, #tpu.memory_space<vmem>>
    %dma_wait3A_374 = arith.constant 0 : i32
    %dma_wait3A_375 = arith.constant 0 : i32
    %dma_wait3A_376 = tpu.memref_slice %arg2[%dma_wait3A_374, %dma_wait3A_375] : memref<100000x1024xf32, #tpu.memory_space<hbm>> -> memref<100000x1024xf32, #tpu.memory_space<hbm>>
    tpu.wait_indirect_dma semaphore(%arg11 : memref<!tpu.dma_semaphore, #tpu.memory_space<semaphore_mem>>) src(%dma_wait3A_376 : memref<100000x1024xf32, #tpu.memory_space<hbm>>) dst(%dma_wait3A_371 : memref<32x1024xf32, #tpu.memory_space<vmem>>)
    %add3A_377 = arith.constant 16 : i32
    %add3A_378 = arith.addi %mul3A_32, %add3A_377 : i32
    %mul3A_379 = arith.constant 8 : i32
    %mul3A_380 = arith.muli %mul3A_379, %select_n3A_30 : i32
    %add3A_381 = arith.constant 5 : i32
    %add3A_382 = arith.addi %mul3A_380, %add3A_381 : i32
    %mul3A_383 = arith.constant 32 : i32
    %mul3A_384 = arith.muli %add3A_382, %mul3A_383 : i32
    %add3A_385 = arith.addi %add3A_378, %mul3A_384 : i32
    %dma_start3A_386 = arith.constant 1 : i32
    %dma_start3A_387 = arith.constant 0 : i32
    %dma_start3A_388 = arith.constant 0 : i32
    %dma_start3A_389 = tpu.memref_slice %arg8[%dma_start3A_386, %dma_start3A_387, %dma_start3A_388] : memref<2x32x1024xf32, #tpu.memory_space<vmem>> -> memref<1x32x1024xf32, #tpu.memory_space<vmem>>
    %dma_start3A_390 = tpu.memref_squeeze %dma_start3A_389 : memref<1x32x1024xf32, #tpu.memory_space<vmem>> -> memref<32x1024xf32, #tpu.memory_space<vmem>>
    %dma_start3A_391 = arith.constant 0 : i32
    %dma_start3A_392 = tpu.memref_slice %arg5[%add3A_385, %dma_start3A_391] : memref<8256x1024xf32, #tpu.memory_space<hbm>> -> memref<32x1024xf32, #tpu.memory_space<hbm>>
    %dma_start3A_393 = arith.constant 0 : i32
    %dma_start3A_394 = tpu.memref_slice %arg5[%add3A_385, %dma_start3A_393] : memref<8256x1024xf32, #tpu.memory_space<hbm>> -> memref<32x1024xf32, #tpu.memory_space<hbm>>
    %dma_start3A_395 = arith.constant 0 : i32
    %dma_start3A_396 = arith.constant 0 : i32
    %dma_start3A_397 = tpu.memref_slice %arg8[%dma_start3A_386, %dma_start3A_395, %dma_start3A_396] : memref<2x32x1024xf32, #tpu.memory_space<vmem>> -> memref<1x32x1024xf32, #tpu.memory_space<vmem>>
    %dma_start3A_398 = tpu.memref_squeeze %dma_start3A_397 : memref<1x32x1024xf32, #tpu.memory_space<vmem>> -> memref<32x1024xf32, #tpu.memory_space<vmem>>
    tpu.enqueue_dma source(%dma_start3A_398 : memref<32x1024xf32, #tpu.memory_space<vmem>>) target(%dma_start3A_394 : memref<32x1024xf32, #tpu.memory_space<hbm>>) target_semaphore(%arg13 : memref<!tpu.dma_semaphore, #tpu.memory_space<semaphore_mem>>)
    %dma_wait3A_399 = arith.constant 1 : i32
    %dma_wait3A_400 = arith.constant 0 : i32
    %dma_wait3A_401 = arith.constant 0 : i32
    %dma_wait3A_402 = tpu.memref_slice %arg8[%dma_wait3A_399, %dma_wait3A_400, %dma_wait3A_401] : memref<2x32x1024xf32, #tpu.memory_space<vmem>> -> memref<1x32x1024xf32, #tpu.memory_space<vmem>>
    %dma_wait3A_403 = tpu.memref_squeeze %dma_wait3A_402 : memref<1x32x1024xf32, #tpu.memory_space<vmem>> -> memref<32x1024xf32, #tpu.memory_space<vmem>>
    %dma_wait3A_404 = arith.constant 0 : i32
    %dma_wait3A_405 = tpu.memref_slice %arg5[%add3A_385, %dma_wait3A_404] : memref<8256x1024xf32, #tpu.memory_space<hbm>> -> memref<32x1024xf32, #tpu.memory_space<hbm>>
    %dma_wait3A_406 = arith.constant 0 : i32
    %dma_wait3A_407 = tpu.memref_slice %arg5[%add3A_385, %dma_wait3A_406] : memref<8256x1024xf32, #tpu.memory_space<hbm>> -> memref<32x1024xf32, #tpu.memory_space<hbm>>
    %dma_wait3A_408 = arith.constant 0 : i32
    %dma_wait3A_409 = arith.constant 0 : i32
    %dma_wait3A_410 = tpu.memref_slice %arg8[%dma_wait3A_399, %dma_wait3A_408, %dma_wait3A_409] : memref<2x32x1024xf32, #tpu.memory_space<vmem>> -> memref<1x32x1024xf32, #tpu.memory_space<vmem>>
    %dma_wait3A_411 = tpu.memref_squeeze %dma_wait3A_410 : memref<1x32x1024xf32, #tpu.memory_space<vmem>> -> memref<32x1024xf32, #tpu.memory_space<vmem>>
    tpu.wait_dma2 semaphore(%arg13 : memref<!tpu.dma_semaphore, #tpu.memory_space<semaphore_mem>>) src(%dma_wait3A_411 : memref<32x1024xf32, #tpu.memory_space<vmem>>) dst(%dma_wait3A_407 : memref<32x1024xf32, #tpu.memory_space<hbm>>)
    %dma_start3A_412 = arith.constant 1 : i32
    %dma_start3A_413 = arith.constant 0 : i32
    %dma_start3A_414 = arith.constant 0 : i32
    %dma_start3A_415 = tpu.memref_slice %arg8[%dma_start3A_412, %dma_start3A_413, %dma_start3A_414] : memref<2x32x1024xf32, #tpu.memory_space<vmem>> -> memref<1x32x1024xf32, #tpu.memory_space<vmem>>
    %dma_start3A_416 = tpu.memref_squeeze %dma_start3A_415 : memref<1x32x1024xf32, #tpu.memory_space<vmem>> -> memref<32x1024xf32, #tpu.memory_space<vmem>>
    %dma_start3A_417 = arith.constant 240 : i32
    %dma_start3A_418 = tpu.memref_slice %arg7[%dma_start3A_417] : memref<272xi32, #tpu.memory_space<vmem>> -> memref<32xi32, #tpu.memory_space<vmem>>
    %dma_start3A_419 = arith.constant 0 : i32
    %dma_start3A_420 = arith.constant 0 : i32
    %dma_start3A_421 = tpu.memref_slice %arg2[%dma_start3A_419, %dma_start3A_420] : memref<100000x1024xf32, #tpu.memory_space<hbm>> -> memref<100000x1024xf32, #tpu.memory_space<hbm>>
    tpu.enqueue_indirect_dma source(%dma_start3A_421 : memref<100000x1024xf32, #tpu.memory_space<hbm>>) target(%dma_start3A_416 : memref<32x1024xf32, #tpu.memory_space<vmem>>) offsets(%dma_start3A_418 : memref<32xi32, #tpu.memory_space<vmem>>) semaphore(%arg11 : memref<!tpu.dma_semaphore, #tpu.memory_space<semaphore_mem>>)
    %dma_wait3A_422 = arith.constant 0 : i32
    %dma_wait3A_423 = arith.constant 0 : i32
    %dma_wait3A_424 = arith.constant 0 : i32
    %dma_wait3A_425 = tpu.memref_slice %arg8[%dma_wait3A_422, %dma_wait3A_423, %dma_wait3A_424] : memref<2x32x1024xf32, #tpu.memory_space<vmem>> -> memref<1x32x1024xf32, #tpu.memory_space<vmem>>
    %dma_wait3A_426 = tpu.memref_squeeze %dma_wait3A_425 : memref<1x32x1024xf32, #tpu.memory_space<vmem>> -> memref<32x1024xf32, #tpu.memory_space<vmem>>
    %dma_wait3A_427 = arith.constant 208 : i32
    %dma_wait3A_428 = tpu.memref_slice %arg7[%dma_wait3A_427] : memref<272xi32, #tpu.memory_space<vmem>> -> memref<32xi32, #tpu.memory_space<vmem>>
    %dma_wait3A_429 = arith.constant 0 : i32
    %dma_wait3A_430 = arith.constant 0 : i32
    %dma_wait3A_431 = tpu.memref_slice %arg2[%dma_wait3A_429, %dma_wait3A_430] : memref<100000x1024xf32, #tpu.memory_space<hbm>> -> memref<100000x1024xf32, #tpu.memory_space<hbm>>
    tpu.wait_indirect_dma semaphore(%arg10 : memref<!tpu.dma_semaphore, #tpu.memory_space<semaphore_mem>>) src(%dma_wait3A_431 : memref<100000x1024xf32, #tpu.memory_space<hbm>>) dst(%dma_wait3A_426 : memref<32x1024xf32, #tpu.memory_space<vmem>>)
    %add3A_432 = arith.constant 16 : i32
    %add3A_433 = arith.addi %mul3A_32, %add3A_432 : i32
    %mul3A_434 = arith.constant 8 : i32
    %mul3A_435 = arith.muli %mul3A_434, %select_n3A_30 : i32
    %add3A_436 = arith.constant 6 : i32
    %add3A_437 = arith.addi %mul3A_435, %add3A_436 : i32
    %mul3A_438 = arith.constant 32 : i32
    %mul3A_439 = arith.muli %add3A_437, %mul3A_438 : i32
    %add3A_440 = arith.addi %add3A_433, %mul3A_439 : i32
    %dma_start3A_441 = arith.constant 0 : i32
    %dma_start3A_442 = arith.constant 0 : i32
    %dma_start3A_443 = arith.constant 0 : i32
    %dma_start3A_444 = tpu.memref_slice %arg8[%dma_start3A_441, %dma_start3A_442, %dma_start3A_443] : memref<2x32x1024xf32, #tpu.memory_space<vmem>> -> memref<1x32x1024xf32, #tpu.memory_space<vmem>>
    %dma_start3A_445 = tpu.memref_squeeze %dma_start3A_444 : memref<1x32x1024xf32, #tpu.memory_space<vmem>> -> memref<32x1024xf32, #tpu.memory_space<vmem>>
    %dma_start3A_446 = arith.constant 0 : i32
    %dma_start3A_447 = tpu.memref_slice %arg5[%add3A_440, %dma_start3A_446] : memref<8256x1024xf32, #tpu.memory_space<hbm>> -> memref<32x1024xf32, #tpu.memory_space<hbm>>
    %dma_start3A_448 = arith.constant 0 : i32
    %dma_start3A_449 = tpu.memref_slice %arg5[%add3A_440, %dma_start3A_448] : memref<8256x1024xf32, #tpu.memory_space<hbm>> -> memref<32x1024xf32, #tpu.memory_space<hbm>>
    %dma_start3A_450 = arith.constant 0 : i32
    %dma_start3A_451 = arith.constant 0 : i32
    %dma_start3A_452 = tpu.memref_slice %arg8[%dma_start3A_441, %dma_start3A_450, %dma_start3A_451] : memref<2x32x1024xf32, #tpu.memory_space<vmem>> -> memref<1x32x1024xf32, #tpu.memory_space<vmem>>
    %dma_start3A_453 = tpu.memref_squeeze %dma_start3A_452 : memref<1x32x1024xf32, #tpu.memory_space<vmem>> -> memref<32x1024xf32, #tpu.memory_space<vmem>>
    tpu.enqueue_dma source(%dma_start3A_453 : memref<32x1024xf32, #tpu.memory_space<vmem>>) target(%dma_start3A_449 : memref<32x1024xf32, #tpu.memory_space<hbm>>) target_semaphore(%arg12 : memref<!tpu.dma_semaphore, #tpu.memory_space<semaphore_mem>>)
    %dma_wait3A_454 = arith.constant 1 : i32
    %dma_wait3A_455 = arith.constant 0 : i32
    %dma_wait3A_456 = arith.constant 0 : i32
    %dma_wait3A_457 = tpu.memref_slice %arg8[%dma_wait3A_454, %dma_wait3A_455, %dma_wait3A_456] : memref<2x32x1024xf32, #tpu.memory_space<vmem>> -> memref<1x32x1024xf32, #tpu.memory_space<vmem>>
    %dma_wait3A_458 = tpu.memref_squeeze %dma_wait3A_457 : memref<1x32x1024xf32, #tpu.memory_space<vmem>> -> memref<32x1024xf32, #tpu.memory_space<vmem>>
    %dma_wait3A_459 = arith.constant 240 : i32
    %dma_wait3A_460 = tpu.memref_slice %arg7[%dma_wait3A_459] : memref<272xi32, #tpu.memory_space<vmem>> -> memref<32xi32, #tpu.memory_space<vmem>>
    %dma_wait3A_461 = arith.constant 0 : i32
    %dma_wait3A_462 = arith.constant 0 : i32
    %dma_wait3A_463 = tpu.memref_slice %arg2[%dma_wait3A_461, %dma_wait3A_462] : memref<100000x1024xf32, #tpu.memory_space<hbm>> -> memref<100000x1024xf32, #tpu.memory_space<hbm>>
    tpu.wait_indirect_dma semaphore(%arg11 : memref<!tpu.dma_semaphore, #tpu.memory_space<semaphore_mem>>) src(%dma_wait3A_463 : memref<100000x1024xf32, #tpu.memory_space<hbm>>) dst(%dma_wait3A_458 : memref<32x1024xf32, #tpu.memory_space<vmem>>)
    %add3A_464 = arith.constant 16 : i32
    %add3A_465 = arith.addi %mul3A_32, %add3A_464 : i32
    %mul3A_466 = arith.constant 8 : i32
    %mul3A_467 = arith.muli %mul3A_466, %select_n3A_30 : i32
    %add3A_468 = arith.constant 7 : i32
    %add3A_469 = arith.addi %mul3A_467, %add3A_468 : i32
    %mul3A_470 = arith.constant 32 : i32
    %mul3A_471 = arith.muli %add3A_469, %mul3A_470 : i32
    %add3A_472 = arith.addi %add3A_465, %mul3A_471 : i32
    %dma_start3A_473 = arith.constant 1 : i32
    %dma_start3A_474 = arith.constant 0 : i32
    %dma_start3A_475 = arith.constant 0 : i32
    %dma_start3A_476 = tpu.memref_slice %arg8[%dma_start3A_473, %dma_start3A_474, %dma_start3A_475] : memref<2x32x1024xf32, #tpu.memory_space<vmem>> -> memref<1x32x1024xf32, #tpu.memory_space<vmem>>
    %dma_start3A_477 = tpu.memref_squeeze %dma_start3A_476 : memref<1x32x1024xf32, #tpu.memory_space<vmem>> -> memref<32x1024xf32, #tpu.memory_space<vmem>>
    %dma_start3A_478 = arith.constant 0 : i32
    %dma_start3A_479 = tpu.memref_slice %arg5[%add3A_472, %dma_start3A_478] : memref<8256x1024xf32, #tpu.memory_space<hbm>> -> memref<32x1024xf32, #tpu.memory_space<hbm>>
    %dma_start3A_480 = arith.constant 0 : i32
    %dma_start3A_481 = tpu.memref_slice %arg5[%add3A_472, %dma_start3A_480] : memref<8256x1024xf32, #tpu.memory_space<hbm>> -> memref<32x1024xf32, #tpu.memory_space<hbm>>
    %dma_start3A_482 = arith.constant 0 : i32
    %dma_start3A_483 = arith.constant 0 : i32
    %dma_start3A_484 = tpu.memref_slice %arg8[%dma_start3A_473, %dma_start3A_482, %dma_start3A_483] : memref<2x32x1024xf32, #tpu.memory_space<vmem>> -> memref<1x32x1024xf32, #tpu.memory_space<vmem>>
    %dma_start3A_485 = tpu.memref_squeeze %dma_start3A_484 : memref<1x32x1024xf32, #tpu.memory_space<vmem>> -> memref<32x1024xf32, #tpu.memory_space<vmem>>
    tpu.enqueue_dma source(%dma_start3A_485 : memref<32x1024xf32, #tpu.memory_space<vmem>>) target(%dma_start3A_481 : memref<32x1024xf32, #tpu.memory_space<hbm>>) target_semaphore(%arg13 : memref<!tpu.dma_semaphore, #tpu.memory_space<semaphore_mem>>)
    %eq3A_486 = arith.constant 0 : i32
    %eq3A_487 = arith.cmpi eq, %select_n3A_30, %eq3A_486 : i32
    %convert_element_type3A_488 = arith.extui %eq3A_487 : i1 to i32
    %cond3A_489 = arith.constant 0 : i32
    %cond3A_490 = arith.cmpi ne, %convert_element_type3A_488, %cond3A_489 : i32
    scf.if %cond3A_490 {
      %dma_wait3A_517 = arith.constant 0 : i32
      %dma_wait3A_518 = tpu.memref_slice %arg7[%dma_wait3A_517] : memref<272xi32, #tpu.memory_space<vmem>> -> memref<16xi32, #tpu.memory_space<vmem>>
      %dma_wait3A_519 = arith.constant 0 : i32
      %dma_wait3A_520 = arith.constant 0 : i32
      %dma_wait3A_521 = tpu.memref_slice %arg2[%dma_wait3A_519, %dma_wait3A_520] : memref<100000x1024xf32, #tpu.memory_space<hbm>> -> memref<100000x1024xf32, #tpu.memory_space<hbm>>
      tpu.wait_indirect_dma semaphore(%arg14 : memref<!tpu.dma_semaphore, #tpu.memory_space<semaphore_mem>>) src(%dma_wait3A_521 : memref<100000x1024xf32, #tpu.memory_space<hbm>>) dst(%arg9 : memref<16x1024xf32, #tpu.memory_space<vmem>>)
      "tpu.region"() ({
        %run_scoped3A = tpu.sem_alloc : memref<!tpu.dma_semaphore, #tpu.memory_space<semaphore_mem>>
        %dma_start3A_522 = arith.constant 0 : i32
        %dma_start3A_523 = tpu.memref_slice %arg5[%mul3A_32, %dma_start3A_522] : memref<8256x1024xf32, #tpu.memory_space<hbm>> -> memref<16x1024xf32, #tpu.memory_space<hbm>>
        %dma_start3A_524 = arith.constant 0 : i32
        %dma_start3A_525 = tpu.memref_slice %arg5[%mul3A_32, %dma_start3A_524] : memref<8256x1024xf32, #tpu.memory_space<hbm>> -> memref<16x1024xf32, #tpu.memory_space<hbm>>
        tpu.enqueue_dma source(%arg9 : memref<16x1024xf32, #tpu.memory_space<vmem>>) target(%dma_start3A_525 : memref<16x1024xf32, #tpu.memory_space<hbm>>) target_semaphore(%run_scoped3A : memref<!tpu.dma_semaphore, #tpu.memory_space<semaphore_mem>>)
        %dma_wait3A_526 = arith.constant 0 : i32
        %dma_wait3A_527 = tpu.memref_slice %arg5[%mul3A_32, %dma_wait3A_526] : memref<8256x1024xf32, #tpu.memory_space<hbm>> -> memref<16x1024xf32, #tpu.memory_space<hbm>>
        %dma_wait3A_528 = arith.constant 0 : i32
        %dma_wait3A_529 = tpu.memref_slice %arg5[%mul3A_32, %dma_wait3A_528] : memref<8256x1024xf32, #tpu.memory_space<hbm>> -> memref<16x1024xf32, #tpu.memory_space<hbm>>
        tpu.wait_dma2 semaphore(%run_scoped3A : memref<!tpu.dma_semaphore, #tpu.memory_space<semaphore_mem>>) src(%arg9 : memref<16x1024xf32, #tpu.memory_space<vmem>>) dst(%dma_wait3A_529 : memref<16x1024xf32, #tpu.memory_space<hbm>>)
        tpu.yield
      }) : () -> ()
    } else {
    }
    %dma_wait3A_491 = arith.constant 0 : i32
    %dma_wait3A_492 = arith.constant 0 : i32
    %dma_wait3A_493 = arith.constant 0 : i32
    %dma_wait3A_494 = tpu.memref_slice %arg8[%dma_wait3A_491, %dma_wait3A_492, %dma_wait3A_493] : memref<2x32x1024xf32, #tpu.memory_space<vmem>> -> memref<1x32x1024xf32, #tpu.memory_space<vmem>>
    %dma_wait3A_495 = tpu.memref_squeeze %dma_wait3A_494 : memref<1x32x1024xf32, #tpu.memory_space<vmem>> -> memref<32x1024xf32, #tpu.memory_space<vmem>>
    %dma_wait3A_496 = arith.constant 0 : i32
    %dma_wait3A_497 = tpu.memref_slice %arg5[%add3A_440, %dma_wait3A_496] : memref<8256x1024xf32, #tpu.memory_space<hbm>> -> memref<32x1024xf32, #tpu.memory_space<hbm>>
    %dma_wait3A_498 = arith.constant 0 : i32
    %dma_wait3A_499 = tpu.memref_slice %arg5[%add3A_440, %dma_wait3A_498] : memref<8256x1024xf32, #tpu.memory_space<hbm>> -> memref<32x1024xf32, #tpu.memory_space<hbm>>
    %dma_wait3A_500 = arith.constant 0 : i32
    %dma_wait3A_501 = arith.constant 0 : i32
    %dma_wait3A_502 = tpu.memref_slice %arg8[%dma_wait3A_491, %dma_wait3A_500, %dma_wait3A_501] : memref<2x32x1024xf32, #tpu.memory_space<vmem>> -> memref<1x32x1024xf32, #tpu.memory_space<vmem>>
    %dma_wait3A_503 = tpu.memref_squeeze %dma_wait3A_502 : memref<1x32x1024xf32, #tpu.memory_space<vmem>> -> memref<32x1024xf32, #tpu.memory_space<vmem>>
    tpu.wait_dma2 semaphore(%arg12 : memref<!tpu.dma_semaphore, #tpu.memory_space<semaphore_mem>>) src(%dma_wait3A_503 : memref<32x1024xf32, #tpu.memory_space<vmem>>) dst(%dma_wait3A_499 : memref<32x1024xf32, #tpu.memory_space<hbm>>)
    %dma_wait3A_504 = arith.constant 1 : i32
    %dma_wait3A_505 = arith.constant 0 : i32
    %dma_wait3A_506 = arith.constant 0 : i32
    %dma_wait3A_507 = tpu.memref_slice %arg8[%dma_wait3A_504, %dma_wait3A_505, %dma_wait3A_506] : memref<2x32x1024xf32, #tpu.memory_space<vmem>> -> memref<1x32x1024xf32, #tpu.memory_space<vmem>>
    %dma_wait3A_508 = tpu.memref_squeeze %dma_wait3A_507 : memref<1x32x1024xf32, #tpu.memory_space<vmem>> -> memref<32x1024xf32, #tpu.memory_space<vmem>>
    %dma_wait3A_509 = arith.constant 0 : i32
    %dma_wait3A_510 = tpu.memref_slice %arg5[%add3A_472, %dma_wait3A_509] : memref<8256x1024xf32, #tpu.memory_space<hbm>> -> memref<32x1024xf32, #tpu.memory_space<hbm>>
    %dma_wait3A_511 = arith.constant 0 : i32
    %dma_wait3A_512 = tpu.memref_slice %arg5[%add3A_472, %dma_wait3A_511] : memref<8256x1024xf32, #tpu.memory_space<hbm>> -> memref<32x1024xf32, #tpu.memory_space<hbm>>
    %dma_wait3A_513 = arith.constant 0 : i32
    %dma_wait3A_514 = arith.constant 0 : i32
    %dma_wait3A_515 = tpu.memref_slice %arg8[%dma_wait3A_504, %dma_wait3A_513, %dma_wait3A_514] : memref<2x32x1024xf32, #tpu.memory_space<vmem>> -> memref<1x32x1024xf32, #tpu.memory_space<vmem>>
    %dma_wait3A_516 = tpu.memref_squeeze %dma_wait3A_515 : memref<1x32x1024xf32, #tpu.memory_space<vmem>> -> memref<32x1024xf32, #tpu.memory_space<vmem>>
    tpu.wait_dma2 semaphore(%arg13 : memref<!tpu.dma_semaphore, #tpu.memory_space<semaphore_mem>>) src(%dma_wait3A_516 : memref<32x1024xf32, #tpu.memory_space<vmem>>) dst(%dma_wait3A_512 : memref<32x1024xf32, #tpu.memory_space<hbm>>)
    return
  }
}

module attributes {stable_mosaic.version = 14 : i64} {
  func.func @_mlp_select_body(%arg0: memref<4xi32, #tpu.memory_space<smem>>, %arg1: memref<20x512xf32, #tpu.memory_space<vmem>>, %arg2: memref<512x1024xf32, #tpu.memory_space<vmem>>, %arg3: memref<1x1024xf32, #tpu.memory_space<vmem>>, %arg4: memref<1024x1024xf32, #tpu.memory_space<vmem>>, %arg5: memref<1x1024xf32, #tpu.memory_space<vmem>>, %arg6: memref<64x1024xf32, #tpu.memory_space<vmem>>) attributes {dimension_semantics = [], scalar_prefetch = 0 : i64, scratch_operands = 0 : i64, tpu.core_type = #tpu.core_type<tc>} {
    %get3A = arith.constant 0 : index
    %get3A_0 = arith.constant 0 : index
    %get3A_1 = vector.load %arg1[%get3A, %get3A_0] : memref<20x512xf32, #tpu.memory_space<vmem>>, vector<20x512xf32>
    %get3A_2 = arith.constant 0 : index
    %get3A_3 = arith.constant 0 : index
    %get3A_4 = vector.load %arg2[%get3A_2, %get3A_3] : memref<512x1024xf32, #tpu.memory_space<vmem>>, vector<512x1024xf32>
    %dot_general3A = arith.constant dense<0.000000e+00> : vector<20x1024xf32>
    %dot_general3A_5 = tpu.matmul %get3A_1, %get3A_4, %dot_general3A {dimension_numbers = #tpu.dot_dimension_numbers<[1], [0], [0], [1], [0, 0, 1, 1], [], []>, precision = #tpu.contract_precision<fp32>, transpose_lhs_hint = false} : vector<20x512xf32>, vector<512x1024xf32>, vector<20x1024xf32> -> vector<20x1024xf32>
    %get3A_6 = arith.constant 0 : index
    %get3A_7 = arith.constant 0 : index
    %get3A_8 = vector.load %arg3[%get3A_6, %get3A_7] : memref<1x1024xf32, #tpu.memory_space<vmem>>, vector<1x1024xf32>
    %add3A = vector.broadcast %get3A_8 : vector<1x1024xf32> to vector<20x1024xf32>
    %add3A_9 = arith.addf %dot_general3A_5, %add3A : vector<20x1024xf32>
    %tanh3A = math.tanh %add3A_9 : vector<20x1024xf32>
    %get3A_10 = arith.constant 0 : index
    %get3A_11 = arith.constant 0 : index
    %get3A_12 = vector.load %arg4[%get3A_10, %get3A_11] : memref<1024x1024xf32, #tpu.memory_space<vmem>>, vector<1024x1024xf32>
    %dot_general3A_13 = arith.constant dense<0.000000e+00> : vector<20x1024xf32>
    %dot_general3A_14 = tpu.matmul %tanh3A, %get3A_12, %dot_general3A_13 {dimension_numbers = #tpu.dot_dimension_numbers<[1], [0], [0], [1], [0, 0, 1, 1], [], []>, precision = #tpu.contract_precision<fp32>, transpose_lhs_hint = false} : vector<20x1024xf32>, vector<1024x1024xf32>, vector<20x1024xf32> -> vector<20x1024xf32>
    %get3A_15 = arith.constant 0 : index
    %get3A_16 = arith.constant 0 : index
    %get3A_17 = vector.load %arg5[%get3A_15, %get3A_16] : memref<1x1024xf32, #tpu.memory_space<vmem>>, vector<1x1024xf32>
    %add3A_18 = vector.broadcast %get3A_17 : vector<1x1024xf32> to vector<20x1024xf32>
    %add3A_19 = arith.addf %dot_general3A_14, %add3A_18 : vector<20x1024xf32>
    %broadcast_in_dim3A = arith.constant 0.000000e+00 : f32
    %broadcast_in_dim3A_20 = vector.broadcast %broadcast_in_dim3A : f32 to vector<64x1024xf32>
    %swap3A = arith.constant 0 : index
    %swap3A_21 = arith.constant 0 : index
    %swap3A_22 = vector.load %arg6[%swap3A, %swap3A_21] : memref<64x1024xf32, #tpu.memory_space<vmem>>, vector<64x1024xf32>
    tpu.vector_store %arg6[%swap3A, %swap3A_21], %broadcast_in_dim3A_20 {strides = array<i32>} : memref<64x1024xf32, #tpu.memory_space<vmem>>, vector<64x1024xf32>,
    %slice3A = vector.extract_strided_slice %add3A_19 {offsets = [0, 0], sizes = [10, 1024], strides = [1, 1]} : vector<20x1024xf32> to vector<10x1024xf32>
    %slice3A_23 = vector.extract_strided_slice %add3A_19 {offsets = [10, 0], sizes = [10, 1024], strides = [1, 1]} : vector<20x1024xf32> to vector<10x1024xf32>
    %get3A_24 = arith.constant 0 : index
    %get3A_25 = memref.load %arg0[%get3A_24] : memref<4xi32, #tpu.memory_space<smem>>
    %eq3A = arith.constant 1 : i32
    %eq3A_26 = arith.cmpi eq, %get3A_25, %eq3A : i32
    %select_n3A = arith.select %eq3A_26, %slice3A_23, %slice3A : vector<10x1024xf32>
    %swap3A_27 = arith.constant 0 : index
    %swap3A_28 = arith.constant 0 : index
    %swap3A_29 = vector.load %arg6[%swap3A_27, %swap3A_28] : memref<64x1024xf32, #tpu.memory_space<vmem>>, vector<10x1024xf32>
    tpu.vector_store %arg6[%swap3A_27, %swap3A_28], %select_n3A {strides = array<i32>} : memref<64x1024xf32, #tpu.memory_space<vmem>>, vector<10x1024xf32>,
    %get3A_30 = arith.constant 1 : index
    %get3A_31 = memref.load %arg0[%get3A_30] : memref<4xi32, #tpu.memory_space<smem>>
    %eq3A_32 = arith.constant 1 : i32
    %eq3A_33 = arith.cmpi eq, %get3A_31, %eq3A_32 : i32
    %select_n3A_34 = arith.select %eq3A_33, %slice3A_23, %slice3A : vector<10x1024xf32>
    %swap3A_35 = arith.constant 16 : index
    %swap3A_36 = arith.constant 0 : index
    %swap3A_37 = vector.load %arg6[%swap3A_35, %swap3A_36] : memref<64x1024xf32, #tpu.memory_space<vmem>>, vector<10x1024xf32>
    tpu.vector_store %arg6[%swap3A_35, %swap3A_36], %select_n3A_34 {strides = array<i32>} : memref<64x1024xf32, #tpu.memory_space<vmem>>, vector<10x1024xf32>,
    %get3A_38 = arith.constant 2 : index
    %get3A_39 = memref.load %arg0[%get3A_38] : memref<4xi32, #tpu.memory_space<smem>>
    %eq3A_40 = arith.constant 1 : i32
    %eq3A_41 = arith.cmpi eq, %get3A_39, %eq3A_40 : i32
    %select_n3A_42 = arith.select %eq3A_41, %slice3A_23, %slice3A : vector<10x1024xf32>
    %swap3A_43 = arith.constant 32 : index
    %swap3A_44 = arith.constant 0 : index
    %swap3A_45 = vector.load %arg6[%swap3A_43, %swap3A_44] : memref<64x1024xf32, #tpu.memory_space<vmem>>, vector<10x1024xf32>
    tpu.vector_store %arg6[%swap3A_43, %swap3A_44], %select_n3A_42 {strides = array<i32>} : memref<64x1024xf32, #tpu.memory_space<vmem>>, vector<10x1024xf32>,
    %get3A_46 = arith.constant 3 : index
    %get3A_47 = memref.load %arg0[%get3A_46] : memref<4xi32, #tpu.memory_space<smem>>
    %eq3A_48 = arith.constant 1 : i32
    %eq3A_49 = arith.cmpi eq, %get3A_47, %eq3A_48 : i32
    %select_n3A_50 = arith.select %eq3A_49, %slice3A_23, %slice3A : vector<10x1024xf32>
    %swap3A_51 = arith.constant 48 : index
    %swap3A_52 = arith.constant 0 : index
    %swap3A_53 = vector.load %arg6[%swap3A_51, %swap3A_52] : memref<64x1024xf32, #tpu.memory_space<vmem>>, vector<10x1024xf32>
    tpu.vector_store %arg6[%swap3A_51, %swap3A_52], %select_n3A_50 {strides = array<i32>} : memref<64x1024xf32, #tpu.memory_space<vmem>>, vector<10x1024xf32>,
    return
  }
}

module attributes {stable_mosaic.version = 14 : i64} {
  func.func @_place_body(%arg0: memref<8256x1024xf32, #tpu.memory_space<any>>, %arg1: memref<64x1024xf32, #tpu.memory_space<vmem>>, %arg2: memref<8256x1024xf32, #tpu.memory_space<any>>, %arg3: memref<4x8x1024xf32, #tpu.memory_space<vmem>>, %arg4: memref<!tpu.dma_semaphore, #tpu.memory_space<semaphore_mem>>, %arg5: memref<!tpu.dma_semaphore, #tpu.memory_space<semaphore_mem>>) attributes {dimension_semantics = [], scalar_prefetch = 0 : i64, scratch_operands = 3 : i64, tpu.core_type = #tpu.core_type<tc>} {
    %dma_start3A = arith.constant 0 : i32
    %dma_start3A_0 = arith.constant 0 : i32
    %dma_start3A_1 = tpu.memref_slice %arg2[%dma_start3A, %dma_start3A_0] : memref<8256x1024xf32, #tpu.memory_space<any>> -> memref<8x1024xf32, #tpu.memory_space<any>>
    %dma_start3A_2 = arith.constant 0 : i32
    %dma_start3A_3 = arith.constant 0 : i32
    %dma_start3A_4 = tpu.memref_slice %arg1[%dma_start3A_2, %dma_start3A_3] : memref<64x1024xf32, #tpu.memory_space<vmem>> -> memref<8x1024xf32, #tpu.memory_space<vmem>>
    tpu.enqueue_dma source(%dma_start3A_4 : memref<8x1024xf32, #tpu.memory_space<vmem>>) target(%dma_start3A_1 : memref<8x1024xf32, #tpu.memory_space<any>>) target_semaphore(%arg4 : memref<!tpu.dma_semaphore, #tpu.memory_space<semaphore_mem>>)
    %dma_start3A_5 = arith.constant 0 : i32
    %dma_start3A_6 = arith.constant 0 : i32
    %dma_start3A_7 = arith.constant 0 : i32
    %dma_start3A_8 = tpu.memref_slice %arg3[%dma_start3A_5, %dma_start3A_6, %dma_start3A_7] : memref<4x8x1024xf32, #tpu.memory_space<vmem>> -> memref<1x8x1024xf32, #tpu.memory_space<vmem>>
    %dma_start3A_9 = tpu.memref_squeeze %dma_start3A_8 : memref<1x8x1024xf32, #tpu.memory_space<vmem>> -> memref<8x1024xf32, #tpu.memory_space<vmem>>
    %dma_start3A_10 = arith.constant 8 : i32
    %dma_start3A_11 = arith.constant 0 : i32
    %dma_start3A_12 = tpu.memref_slice %arg2[%dma_start3A_10, %dma_start3A_11] : memref<8256x1024xf32, #tpu.memory_space<any>> -> memref<8x1024xf32, #tpu.memory_space<any>>
    tpu.enqueue_dma source(%dma_start3A_12 : memref<8x1024xf32, #tpu.memory_space<any>>) target(%dma_start3A_9 : memref<8x1024xf32, #tpu.memory_space<vmem>>) target_semaphore(%arg5 : memref<!tpu.dma_semaphore, #tpu.memory_space<semaphore_mem>>)
    %dma_start3A_13 = arith.constant 2064 : i32
    %dma_start3A_14 = arith.constant 0 : i32
    %dma_start3A_15 = tpu.memref_slice %arg2[%dma_start3A_13, %dma_start3A_14] : memref<8256x1024xf32, #tpu.memory_space<any>> -> memref<8x1024xf32, #tpu.memory_space<any>>
    %dma_start3A_16 = arith.constant 16 : i32
    %dma_start3A_17 = arith.constant 0 : i32
    %dma_start3A_18 = tpu.memref_slice %arg1[%dma_start3A_16, %dma_start3A_17] : memref<64x1024xf32, #tpu.memory_space<vmem>> -> memref<8x1024xf32, #tpu.memory_space<vmem>>
    tpu.enqueue_dma source(%dma_start3A_18 : memref<8x1024xf32, #tpu.memory_space<vmem>>) target(%dma_start3A_15 : memref<8x1024xf32, #tpu.memory_space<any>>) target_semaphore(%arg4 : memref<!tpu.dma_semaphore, #tpu.memory_space<semaphore_mem>>)
    %dma_start3A_19 = arith.constant 1 : i32
    %dma_start3A_20 = arith.constant 0 : i32
    %dma_start3A_21 = arith.constant 0 : i32
    %dma_start3A_22 = tpu.memref_slice %arg3[%dma_start3A_19, %dma_start3A_20, %dma_start3A_21] : memref<4x8x1024xf32, #tpu.memory_space<vmem>> -> memref<1x8x1024xf32, #tpu.memory_space<vmem>>
    %dma_start3A_23 = tpu.memref_squeeze %dma_start3A_22 : memref<1x8x1024xf32, #tpu.memory_space<vmem>> -> memref<8x1024xf32, #tpu.memory_space<vmem>>
    %dma_start3A_24 = arith.constant 2072 : i32
    %dma_start3A_25 = arith.constant 0 : i32
    %dma_start3A_26 = tpu.memref_slice %arg2[%dma_start3A_24, %dma_start3A_25] : memref<8256x1024xf32, #tpu.memory_space<any>> -> memref<8x1024xf32, #tpu.memory_space<any>>
    tpu.enqueue_dma source(%dma_start3A_26 : memref<8x1024xf32, #tpu.memory_space<any>>) target(%dma_start3A_23 : memref<8x1024xf32, #tpu.memory_space<vmem>>) target_semaphore(%arg5 : memref<!tpu.dma_semaphore, #tpu.memory_space<semaphore_mem>>)
    %dma_start3A_27 = arith.constant 4128 : i32
    %dma_start3A_28 = arith.constant 0 : i32
    %dma_start3A_29 = tpu.memref_slice %arg2[%dma_start3A_27, %dma_start3A_28] : memref<8256x1024xf32, #tpu.memory_space<any>> -> memref<8x1024xf32, #tpu.memory_space<any>>
    %dma_start3A_30 = arith.constant 32 : i32
    %dma_start3A_31 = arith.constant 0 : i32
    %dma_start3A_32 = tpu.memref_slice %arg1[%dma_start3A_30, %dma_start3A_31] : memref<64x1024xf32, #tpu.memory_space<vmem>> -> memref<8x1024xf32, #tpu.memory_space<vmem>>
    tpu.enqueue_dma source(%dma_start3A_32 : memref<8x1024xf32, #tpu.memory_space<vmem>>) target(%dma_start3A_29 : memref<8x1024xf32, #tpu.memory_space<any>>) target_semaphore(%arg4 : memref<!tpu.dma_semaphore, #tpu.memory_space<semaphore_mem>>)
    %dma_start3A_33 = arith.constant 2 : i32
    %dma_start3A_34 = arith.constant 0 : i32
    %dma_start3A_35 = arith.constant 0 : i32
    %dma_start3A_36 = tpu.memref_slice %arg3[%dma_start3A_33, %dma_start3A_34, %dma_start3A_35] : memref<4x8x1024xf32, #tpu.memory_space<vmem>> -> memref<1x8x1024xf32, #tpu.memory_space<vmem>>
    %dma_start3A_37 = tpu.memref_squeeze %dma_start3A_36 : memref<1x8x1024xf32, #tpu.memory_space<vmem>> -> memref<8x1024xf32, #tpu.memory_space<vmem>>
    %dma_start3A_38 = arith.constant 4136 : i32
    %dma_start3A_39 = arith.constant 0 : i32
    %dma_start3A_40 = tpu.memref_slice %arg2[%dma_start3A_38, %dma_start3A_39] : memref<8256x1024xf32, #tpu.memory_space<any>> -> memref<8x1024xf32, #tpu.memory_space<any>>
    tpu.enqueue_dma source(%dma_start3A_40 : memref<8x1024xf32, #tpu.memory_space<any>>) target(%dma_start3A_37 : memref<8x1024xf32, #tpu.memory_space<vmem>>) target_semaphore(%arg5 : memref<!tpu.dma_semaphore, #tpu.memory_space<semaphore_mem>>)
    %dma_start3A_41 = arith.constant 6192 : i32
    %dma_start3A_42 = arith.constant 0 : i32
    %dma_start3A_43 = tpu.memref_slice %arg2[%dma_start3A_41, %dma_start3A_42] : memref<8256x1024xf32, #tpu.memory_space<any>> -> memref<8x1024xf32, #tpu.memory_space<any>>
    %dma_start3A_44 = arith.constant 48 : i32
    %dma_start3A_45 = arith.constant 0 : i32
    %dma_start3A_46 = tpu.memref_slice %arg1[%dma_start3A_44, %dma_start3A_45] : memref<64x1024xf32, #tpu.memory_space<vmem>> -> memref<8x1024xf32, #tpu.memory_space<vmem>>
    tpu.enqueue_dma source(%dma_start3A_46 : memref<8x1024xf32, #tpu.memory_space<vmem>>) target(%dma_start3A_43 : memref<8x1024xf32, #tpu.memory_space<any>>) target_semaphore(%arg4 : memref<!tpu.dma_semaphore, #tpu.memory_space<semaphore_mem>>)
    %dma_start3A_47 = arith.constant 3 : i32
    %dma_start3A_48 = arith.constant 0 : i32
    %dma_start3A_49 = arith.constant 0 : i32
    %dma_start3A_50 = tpu.memref_slice %arg3[%dma_start3A_47, %dma_start3A_48, %dma_start3A_49] : memref<4x8x1024xf32, #tpu.memory_space<vmem>> -> memref<1x8x1024xf32, #tpu.memory_space<vmem>>
    %dma_start3A_51 = tpu.memref_squeeze %dma_start3A_50 : memref<1x8x1024xf32, #tpu.memory_space<vmem>> -> memref<8x1024xf32, #tpu.memory_space<vmem>>
    %dma_start3A_52 = arith.constant 6200 : i32
    %dma_start3A_53 = arith.constant 0 : i32
    %dma_start3A_54 = tpu.memref_slice %arg2[%dma_start3A_52, %dma_start3A_53] : memref<8256x1024xf32, #tpu.memory_space<any>> -> memref<8x1024xf32, #tpu.memory_space<any>>
    tpu.enqueue_dma source(%dma_start3A_54 : memref<8x1024xf32, #tpu.memory_space<any>>) target(%dma_start3A_51 : memref<8x1024xf32, #tpu.memory_space<vmem>>) target_semaphore(%arg5 : memref<!tpu.dma_semaphore, #tpu.memory_space<semaphore_mem>>)
    %dma_wait3A = arith.constant 0 : i32
    %dma_wait3A_55 = arith.constant 0 : i32
    %dma_wait3A_56 = arith.constant 0 : i32
    %dma_wait3A_57 = tpu.memref_slice %arg3[%dma_wait3A, %dma_wait3A_55, %dma_wait3A_56] : memref<4x8x1024xf32, #tpu.memory_space<vmem>> -> memref<1x8x1024xf32, #tpu.memory_space<vmem>>
    %dma_wait3A_58 = tpu.memref_squeeze %dma_wait3A_57 : memref<1x8x1024xf32, #tpu.memory_space<vmem>> -> memref<8x1024xf32, #tpu.memory_space<vmem>>
    %dma_wait3A_59 = arith.constant 8 : i32
    %dma_wait3A_60 = arith.constant 0 : i32
    %dma_wait3A_61 = tpu.memref_slice %arg2[%dma_wait3A_59, %dma_wait3A_60] : memref<8256x1024xf32, #tpu.memory_space<any>> -> memref<8x1024xf32, #tpu.memory_space<any>>
    tpu.wait_dma2 semaphore(%arg5 : memref<!tpu.dma_semaphore, #tpu.memory_space<semaphore_mem>>) src(%dma_wait3A_61 : memref<8x1024xf32, #tpu.memory_space<any>>) dst(%dma_wait3A_58 : memref<8x1024xf32, #tpu.memory_space<vmem>>)
    %get3A = arith.constant 8 : index
    %get3A_62 = arith.constant 0 : index
    %get3A_63 = vector.load %arg1[%get3A, %get3A_62] : memref<64x1024xf32, #tpu.memory_space<vmem>>, vector<2x1024xf32>
    %swap3A = arith.constant 0 : index
    %swap3A_64 = arith.constant 0 : index
    %swap3A_65 = arith.constant 0 : index
    %swap3A_66 = vector.load %arg3[%swap3A, %swap3A_64, %swap3A_65] : memref<4x8x1024xf32, #tpu.memory_space<vmem>>, vector<1x2x1024xf32>
    %swap3A_67 = vector.shape_cast %swap3A_66 : vector<1x2x1024xf32> to vector<2x1024xf32>
    %swap3A_68 = vector.shape_cast %get3A_63 : vector<2x1024xf32> to vector<1x2x1024xf32>
    tpu.vector_store %arg3[%swap3A, %swap3A_64, %swap3A_65], %swap3A_68 {strides = array<i32>} : memref<4x8x1024xf32, #tpu.memory_space<vmem>>, vector<1x2x1024xf32>,
    %dma_wait3A_69 = arith.constant 1 : i32
    %dma_wait3A_70 = arith.constant 0 : i32
    %dma_wait3A_71 = arith.constant 0 : i32
    %dma_wait3A_72 = tpu.memref_slice %arg3[%dma_wait3A_69, %dma_wait3A_70, %dma_wait3A_71] : memref<4x8x1024xf32, #tpu.memory_space<vmem>> -> memref<1x8x1024xf32, #tpu.memory_space<vmem>>
    %dma_wait3A_73 = tpu.memref_squeeze %dma_wait3A_72 : memref<1x8x1024xf32, #tpu.memory_space<vmem>> -> memref<8x1024xf32, #tpu.memory_space<vmem>>
    %dma_wait3A_74 = arith.constant 2072 : i32
    %dma_wait3A_75 = arith.constant 0 : i32
    %dma_wait3A_76 = tpu.memref_slice %arg2[%dma_wait3A_74, %dma_wait3A_75] : memref<8256x1024xf32, #tpu.memory_space<any>> -> memref<8x1024xf32, #tpu.memory_space<any>>
    tpu.wait_dma2 semaphore(%arg5 : memref<!tpu.dma_semaphore, #tpu.memory_space<semaphore_mem>>) src(%dma_wait3A_76 : memref<8x1024xf32, #tpu.memory_space<any>>) dst(%dma_wait3A_73 : memref<8x1024xf32, #tpu.memory_space<vmem>>)
    %get3A_77 = arith.constant 24 : index
    %get3A_78 = arith.constant 0 : index
    %get3A_79 = vector.load %arg1[%get3A_77, %get3A_78] : memref<64x1024xf32, #tpu.memory_space<vmem>>, vector<2x1024xf32>
    %swap3A_80 = arith.constant 1 : index
    %swap3A_81 = arith.constant 0 : index
    %swap3A_82 = arith.constant 0 : index
    %swap3A_83 = vector.load %arg3[%swap3A_80, %swap3A_81, %swap3A_82] : memref<4x8x1024xf32, #tpu.memory_space<vmem>>, vector<1x2x1024xf32>
    %swap3A_84 = vector.shape_cast %swap3A_83 : vector<1x2x1024xf32> to vector<2x1024xf32>
    %swap3A_85 = vector.shape_cast %get3A_79 : vector<2x1024xf32> to vector<1x2x1024xf32>
    tpu.vector_store %arg3[%swap3A_80, %swap3A_81, %swap3A_82], %swap3A_85 {strides = array<i32>} : memref<4x8x1024xf32, #tpu.memory_space<vmem>>, vector<1x2x1024xf32>,
    %dma_wait3A_86 = arith.constant 2 : i32
    %dma_wait3A_87 = arith.constant 0 : i32
    %dma_wait3A_88 = arith.constant 0 : i32
    %dma_wait3A_89 = tpu.memref_slice %arg3[%dma_wait3A_86, %dma_wait3A_87, %dma_wait3A_88] : memref<4x8x1024xf32, #tpu.memory_space<vmem>> -> memref<1x8x1024xf32, #tpu.memory_space<vmem>>
    %dma_wait3A_90 = tpu.memref_squeeze %dma_wait3A_89 : memref<1x8x1024xf32, #tpu.memory_space<vmem>> -> memref<8x1024xf32, #tpu.memory_space<vmem>>
    %dma_wait3A_91 = arith.constant 4136 : i32
    %dma_wait3A_92 = arith.constant 0 : i32
    %dma_wait3A_93 = tpu.memref_slice %arg2[%dma_wait3A_91, %dma_wait3A_92] : memref<8256x1024xf32, #tpu.memory_space<any>> -> memref<8x1024xf32, #tpu.memory_space<any>>
    tpu.wait_dma2 semaphore(%arg5 : memref<!tpu.dma_semaphore, #tpu.memory_space<semaphore_mem>>) src(%dma_wait3A_93 : memref<8x1024xf32, #tpu.memory_space<any>>) dst(%dma_wait3A_90 : memref<8x1024xf32, #tpu.memory_space<vmem>>)
    %get3A_94 = arith.constant 40 : index
    %get3A_95 = arith.constant 0 : index
    %get3A_96 = vector.load %arg1[%get3A_94, %get3A_95] : memref<64x1024xf32, #tpu.memory_space<vmem>>, vector<2x1024xf32>
    %swap3A_97 = arith.constant 2 : index
    %swap3A_98 = arith.constant 0 : index
    %swap3A_99 = arith.constant 0 : index
    %swap3A_100 = vector.load %arg3[%swap3A_97, %swap3A_98, %swap3A_99] : memref<4x8x1024xf32, #tpu.memory_space<vmem>>, vector<1x2x1024xf32>
    %swap3A_101 = vector.shape_cast %swap3A_100 : vector<1x2x1024xf32> to vector<2x1024xf32>
    %swap3A_102 = vector.shape_cast %get3A_96 : vector<2x1024xf32> to vector<1x2x1024xf32>
    tpu.vector_store %arg3[%swap3A_97, %swap3A_98, %swap3A_99], %swap3A_102 {strides = array<i32>} : memref<4x8x1024xf32, #tpu.memory_space<vmem>>, vector<1x2x1024xf32>,
    %dma_wait3A_103 = arith.constant 3 : i32
    %dma_wait3A_104 = arith.constant 0 : i32
    %dma_wait3A_105 = arith.constant 0 : i32
    %dma_wait3A_106 = tpu.memref_slice %arg3[%dma_wait3A_103, %dma_wait3A_104, %dma_wait3A_105] : memref<4x8x1024xf32, #tpu.memory_space<vmem>> -> memref<1x8x1024xf32, #tpu.memory_space<vmem>>
    %dma_wait3A_107 = tpu.memref_squeeze %dma_wait3A_106 : memref<1x8x1024xf32, #tpu.memory_space<vmem>> -> memref<8x1024xf32, #tpu.memory_space<vmem>>
    %dma_wait3A_108 = arith.constant 6200 : i32
    %dma_wait3A_109 = arith.constant 0 : i32
    %dma_wait3A_110 = tpu.memref_slice %arg2[%dma_wait3A_108, %dma_wait3A_109] : memref<8256x1024xf32, #tpu.memory_space<any>> -> memref<8x1024xf32, #tpu.memory_space<any>>
    tpu.wait_dma2 semaphore(%arg5 : memref<!tpu.dma_semaphore, #tpu.memory_space<semaphore_mem>>) src(%dma_wait3A_110 : memref<8x1024xf32, #tpu.memory_space<any>>) dst(%dma_wait3A_107 : memref<8x1024xf32, #tpu.memory_space<vmem>>)
    %get3A_111 = arith.constant 56 : index
    %get3A_112 = arith.constant 0 : index
    %get3A_113 = vector.load %arg1[%get3A_111, %get3A_112] : memref<64x1024xf32, #tpu.memory_space<vmem>>, vector<2x1024xf32>
    %swap3A_114 = arith.constant 3 : index
    %swap3A_115 = arith.constant 0 : index
    %swap3A_116 = arith.constant 0 : index
    %swap3A_117 = vector.load %arg3[%swap3A_114, %swap3A_115, %swap3A_116] : memref<4x8x1024xf32, #tpu.memory_space<vmem>>, vector<1x2x1024xf32>
    %swap3A_118 = vector.shape_cast %swap3A_117 : vector<1x2x1024xf32> to vector<2x1024xf32>
    %swap3A_119 = vector.shape_cast %get3A_113 : vector<2x1024xf32> to vector<1x2x1024xf32>
    tpu.vector_store %arg3[%swap3A_114, %swap3A_115, %swap3A_116], %swap3A_119 {strides = array<i32>} : memref<4x8x1024xf32, #tpu.memory_space<vmem>>, vector<1x2x1024xf32>,
    %dma_start3A_120 = arith.constant 0 : i32
    %dma_start3A_121 = arith.constant 8 : i32
    %dma_start3A_122 = arith.constant 0 : i32
    %dma_start3A_123 = tpu.memref_slice %arg2[%dma_start3A_121, %dma_start3A_122] : memref<8256x1024xf32, #tpu.memory_space<any>> -> memref<8x1024xf32, #tpu.memory_space<any>>
    %dma_start3A_124 = arith.constant 0 : i32
    %dma_start3A_125 = arith.constant 0 : i32
    %dma_start3A_126 = tpu.memref_slice %arg3[%dma_start3A_120, %dma_start3A_124, %dma_start3A_125] : memref<4x8x1024xf32, #tpu.memory_space<vmem>> -> memref<1x8x1024xf32, #tpu.memory_space<vmem>>
    %dma_start3A_127 = tpu.memref_squeeze %dma_start3A_126 : memref<1x8x1024xf32, #tpu.memory_space<vmem>> -> memref<8x1024xf32, #tpu.memory_space<vmem>>
    tpu.enqueue_dma source(%dma_start3A_127 : memref<8x1024xf32, #tpu.memory_space<vmem>>) target(%dma_start3A_123 : memref<8x1024xf32, #tpu.memory_space<any>>) target_semaphore(%arg5 : memref<!tpu.dma_semaphore, #tpu.memory_space<semaphore_mem>>)
    %dma_start3A_128 = arith.constant 1 : i32
    %dma_start3A_129 = arith.constant 2072 : i32
    %dma_start3A_130 = arith.constant 0 : i32
    %dma_start3A_131 = tpu.memref_slice %arg2[%dma_start3A_129, %dma_start3A_130] : memref<8256x1024xf32, #tpu.memory_space<any>> -> memref<8x1024xf32, #tpu.memory_space<any>>
    %dma_start3A_132 = arith.constant 0 : i32
    %dma_start3A_133 = arith.constant 0 : i32
    %dma_start3A_134 = tpu.memref_slice %arg3[%dma_start3A_128, %dma_start3A_132, %dma_start3A_133] : memref<4x8x1024xf32, #tpu.memory_space<vmem>> -> memref<1x8x1024xf32, #tpu.memory_space<vmem>>
    %dma_start3A_135 = tpu.memref_squeeze %dma_start3A_134 : memref<1x8x1024xf32, #tpu.memory_space<vmem>> -> memref<8x1024xf32, #tpu.memory_space<vmem>>
    tpu.enqueue_dma source(%dma_start3A_135 : memref<8x1024xf32, #tpu.memory_space<vmem>>) target(%dma_start3A_131 : memref<8x1024xf32, #tpu.memory_space<any>>) target_semaphore(%arg5 : memref<!tpu.dma_semaphore, #tpu.memory_space<semaphore_mem>>)
    %dma_start3A_136 = arith.constant 2 : i32
    %dma_start3A_137 = arith.constant 4136 : i32
    %dma_start3A_138 = arith.constant 0 : i32
    %dma_start3A_139 = tpu.memref_slice %arg2[%dma_start3A_137, %dma_start3A_138] : memref<8256x1024xf32, #tpu.memory_space<any>> -> memref<8x1024xf32, #tpu.memory_space<any>>
    %dma_start3A_140 = arith.constant 0 : i32
    %dma_start3A_141 = arith.constant 0 : i32
    %dma_start3A_142 = tpu.memref_slice %arg3[%dma_start3A_136, %dma_start3A_140, %dma_start3A_141] : memref<4x8x1024xf32, #tpu.memory_space<vmem>> -> memref<1x8x1024xf32, #tpu.memory_space<vmem>>
    %dma_start3A_143 = tpu.memref_squeeze %dma_start3A_142 : memref<1x8x1024xf32, #tpu.memory_space<vmem>> -> memref<8x1024xf32, #tpu.memory_space<vmem>>
    tpu.enqueue_dma source(%dma_start3A_143 : memref<8x1024xf32, #tpu.memory_space<vmem>>) target(%dma_start3A_139 : memref<8x1024xf32, #tpu.memory_space<any>>) target_semaphore(%arg5 : memref<!tpu.dma_semaphore, #tpu.memory_space<semaphore_mem>>)
    %dma_start3A_144 = arith.constant 3 : i32
    %dma_start3A_145 = arith.constant 6200 : i32
    %dma_start3A_146 = arith.constant 0 : i32
    %dma_start3A_147 = tpu.memref_slice %arg2[%dma_start3A_145, %dma_start3A_146] : memref<8256x1024xf32, #tpu.memory_space<any>> -> memref<8x1024xf32, #tpu.memory_space<any>>
    %dma_start3A_148 = arith.constant 0 : i32
    %dma_start3A_149 = arith.constant 0 : i32
    %dma_start3A_150 = tpu.memref_slice %arg3[%dma_start3A_144, %dma_start3A_148, %dma_start3A_149] : memref<4x8x1024xf32, #tpu.memory_space<vmem>> -> memref<1x8x1024xf32, #tpu.memory_space<vmem>>
    %dma_start3A_151 = tpu.memref_squeeze %dma_start3A_150 : memref<1x8x1024xf32, #tpu.memory_space<vmem>> -> memref<8x1024xf32, #tpu.memory_space<vmem>>
    tpu.enqueue_dma source(%dma_start3A_151 : memref<8x1024xf32, #tpu.memory_space<vmem>>) target(%dma_start3A_147 : memref<8x1024xf32, #tpu.memory_space<any>>) target_semaphore(%arg5 : memref<!tpu.dma_semaphore, #tpu.memory_space<semaphore_mem>>)
    %dma_wait3A_152 = arith.constant 0 : i32
    %dma_wait3A_153 = arith.constant 0 : i32
    %dma_wait3A_154 = tpu.memref_slice %arg2[%dma_wait3A_152, %dma_wait3A_153] : memref<8256x1024xf32, #tpu.memory_space<any>> -> memref<8x1024xf32, #tpu.memory_space<any>>
    %dma_wait3A_155 = arith.constant 0 : i32
    %dma_wait3A_156 = arith.constant 0 : i32
    %dma_wait3A_157 = tpu.memref_slice %arg1[%dma_wait3A_155, %dma_wait3A_156] : memref<64x1024xf32, #tpu.memory_space<vmem>> -> memref<8x1024xf32, #tpu.memory_space<vmem>>
    tpu.wait_dma2 semaphore(%arg4 : memref<!tpu.dma_semaphore, #tpu.memory_space<semaphore_mem>>) src(%dma_wait3A_157 : memref<8x1024xf32, #tpu.memory_space<vmem>>) dst(%dma_wait3A_154 : memref<8x1024xf32, #tpu.memory_space<any>>)
    %dma_wait3A_158 = arith.constant 0 : i32
    %dma_wait3A_159 = arith.constant 8 : i32
    %dma_wait3A_160 = arith.constant 0 : i32
    %dma_wait3A_161 = tpu.memref_slice %arg2[%dma_wait3A_159, %dma_wait3A_160] : memref<8256x1024xf32, #tpu.memory_space<any>> -> memref<8x1024xf32, #tpu.memory_space<any>>
    %dma_wait3A_162 = arith.constant 0 : i32
    %dma_wait3A_163 = arith.constant 0 : i32
    %dma_wait3A_164 = tpu.memref_slice %arg3[%dma_wait3A_158, %dma_wait3A_162, %dma_wait3A_163] : memref<4x8x1024xf32, #tpu.memory_space<vmem>> -> memref<1x8x1024xf32, #tpu.memory_space<vmem>>
    %dma_wait3A_165 = tpu.memref_squeeze %dma_wait3A_164 : memref<1x8x1024xf32, #tpu.memory_space<vmem>> -> memref<8x1024xf32, #tpu.memory_space<vmem>>
    tpu.wait_dma2 semaphore(%arg5 : memref<!tpu.dma_semaphore, #tpu.memory_space<semaphore_mem>>) src(%dma_wait3A_165 : memref<8x1024xf32, #tpu.memory_space<vmem>>) dst(%dma_wait3A_161 : memref<8x1024xf32, #tpu.memory_space<any>>)
    %dma_wait3A_166 = arith.constant 2064 : i32
    %dma_wait3A_167 = arith.constant 0 : i32
    %dma_wait3A_168 = tpu.memref_slice %arg2[%dma_wait3A_166, %dma_wait3A_167] : memref<8256x1024xf32, #tpu.memory_space<any>> -> memref<8x1024xf32, #tpu.memory_space<any>>
    %dma_wait3A_169 = arith.constant 16 : i32
    %dma_wait3A_170 = arith.constant 0 : i32
    %dma_wait3A_171 = tpu.memref_slice %arg1[%dma_wait3A_169, %dma_wait3A_170] : memref<64x1024xf32, #tpu.memory_space<vmem>> -> memref<8x1024xf32, #tpu.memory_space<vmem>>
    tpu.wait_dma2 semaphore(%arg4 : memref<!tpu.dma_semaphore, #tpu.memory_space<semaphore_mem>>) src(%dma_wait3A_171 : memref<8x1024xf32, #tpu.memory_space<vmem>>) dst(%dma_wait3A_168 : memref<8x1024xf32, #tpu.memory_space<any>>)
    %dma_wait3A_172 = arith.constant 1 : i32
    %dma_wait3A_173 = arith.constant 2072 : i32
    %dma_wait3A_174 = arith.constant 0 : i32
    %dma_wait3A_175 = tpu.memref_slice %arg2[%dma_wait3A_173, %dma_wait3A_174] : memref<8256x1024xf32, #tpu.memory_space<any>> -> memref<8x1024xf32, #tpu.memory_space<any>>
    %dma_wait3A_176 = arith.constant 0 : i32
    %dma_wait3A_177 = arith.constant 0 : i32
    %dma_wait3A_178 = tpu.memref_slice %arg3[%dma_wait3A_172, %dma_wait3A_176, %dma_wait3A_177] : memref<4x8x1024xf32, #tpu.memory_space<vmem>> -> memref<1x8x1024xf32, #tpu.memory_space<vmem>>
    %dma_wait3A_179 = tpu.memref_squeeze %dma_wait3A_178 : memref<1x8x1024xf32, #tpu.memory_space<vmem>> -> memref<8x1024xf32, #tpu.memory_space<vmem>>
    tpu.wait_dma2 semaphore(%arg5 : memref<!tpu.dma_semaphore, #tpu.memory_space<semaphore_mem>>) src(%dma_wait3A_179 : memref<8x1024xf32, #tpu.memory_space<vmem>>) dst(%dma_wait3A_175 : memref<8x1024xf32, #tpu.memory_space<any>>)
    %dma_wait3A_180 = arith.constant 4128 : i32
    %dma_wait3A_181 = arith.constant 0 : i32
    %dma_wait3A_182 = tpu.memref_slice %arg2[%dma_wait3A_180, %dma_wait3A_181] : memref<8256x1024xf32, #tpu.memory_space<any>> -> memref<8x1024xf32, #tpu.memory_space<any>>
    %dma_wait3A_183 = arith.constant 32 : i32
    %dma_wait3A_184 = arith.constant 0 : i32
    %dma_wait3A_185 = tpu.memref_slice %arg1[%dma_wait3A_183, %dma_wait3A_184] : memref<64x1024xf32, #tpu.memory_space<vmem>> -> memref<8x1024xf32, #tpu.memory_space<vmem>>
    tpu.wait_dma2 semaphore(%arg4 : memref<!tpu.dma_semaphore, #tpu.memory_space<semaphore_mem>>) src(%dma_wait3A_185 : memref<8x1024xf32, #tpu.memory_space<vmem>>) dst(%dma_wait3A_182 : memref<8x1024xf32, #tpu.memory_space<any>>)
    %dma_wait3A_186 = arith.constant 2 : i32
    %dma_wait3A_187 = arith.constant 4136 : i32
    %dma_wait3A_188 = arith.constant 0 : i32
    %dma_wait3A_189 = tpu.memref_slice %arg2[%dma_wait3A_187, %dma_wait3A_188] : memref<8256x1024xf32, #tpu.memory_space<any>> -> memref<8x1024xf32, #tpu.memory_space<any>>
    %dma_wait3A_190 = arith.constant 0 : i32
    %dma_wait3A_191 = arith.constant 0 : i32
    %dma_wait3A_192 = tpu.memref_slice %arg3[%dma_wait3A_186, %dma_wait3A_190, %dma_wait3A_191] : memref<4x8x1024xf32, #tpu.memory_space<vmem>> -> memref<1x8x1024xf32, #tpu.memory_space<vmem>>
    %dma_wait3A_193 = tpu.memref_squeeze %dma_wait3A_192 : memref<1x8x1024xf32, #tpu.memory_space<vmem>> -> memref<8x1024xf32, #tpu.memory_space<vmem>>
    tpu.wait_dma2 semaphore(%arg5 : memref<!tpu.dma_semaphore, #tpu.memory_space<semaphore_mem>>) src(%dma_wait3A_193 : memref<8x1024xf32, #tpu.memory_space<vmem>>) dst(%dma_wait3A_189 : memref<8x1024xf32, #tpu.memory_space<any>>)
    %dma_wait3A_194 = arith.constant 6192 : i32
    %dma_wait3A_195 = arith.constant 0 : i32
    %dma_wait3A_196 = tpu.memref_slice %arg2[%dma_wait3A_194, %dma_wait3A_195] : memref<8256x1024xf32, #tpu.memory_space<any>> -> memref<8x1024xf32, #tpu.memory_space<any>>
    %dma_wait3A_197 = arith.constant 48 : i32
    %dma_wait3A_198 = arith.constant 0 : i32
    %dma_wait3A_199 = tpu.memref_slice %arg1[%dma_wait3A_197, %dma_wait3A_198] : memref<64x1024xf32, #tpu.memory_space<vmem>> -> memref<8x1024xf32, #tpu.memory_space<vmem>>
    tpu.wait_dma2 semaphore(%arg4 : memref<!tpu.dma_semaphore, #tpu.memory_space<semaphore_mem>>) src(%dma_wait3A_199 : memref<8x1024xf32, #tpu.memory_space<vmem>>) dst(%dma_wait3A_196 : memref<8x1024xf32, #tpu.memory_space<any>>)
    %dma_wait3A_200 = arith.constant 3 : i32
    %dma_wait3A_201 = arith.constant 6200 : i32
    %dma_wait3A_202 = arith.constant 0 : i32
    %dma_wait3A_203 = tpu.memref_slice %arg2[%dma_wait3A_201, %dma_wait3A_202] : memref<8256x1024xf32, #tpu.memory_space<any>> -> memref<8x1024xf32, #tpu.memory_space<any>>
    %dma_wait3A_204 = arith.constant 0 : i32
    %dma_wait3A_205 = arith.constant 0 : i32
    %dma_wait3A_206 = tpu.memref_slice %arg3[%dma_wait3A_200, %dma_wait3A_204, %dma_wait3A_205] : memref<4x8x1024xf32, #tpu.memory_space<vmem>> -> memref<1x8x1024xf32, #tpu.memory_space<vmem>>
    %dma_wait3A_207 = tpu.memref_squeeze %dma_wait3A_206 : memref<1x8x1024xf32, #tpu.memory_space<vmem>> -> memref<8x1024xf32, #tpu.memory_space<vmem>>
    tpu.wait_dma2 semaphore(%arg5 : memref<!tpu.dma_semaphore, #tpu.memory_space<semaphore_mem>>) src(%dma_wait3A_207 : memref<8x1024xf32, #tpu.memory_space<vmem>>) dst(%dma_wait3A_203 : memref<8x1024xf32, #tpu.memory_space<any>>)
    return
  }
}

</mosaic_0001>

<sc_bundles>
// kernel: kernel.5.cloned.1.call-start
scs
__scs_entry_jumppad:
0x0: {  	(pc) =	sbr.rel $0x88, $3  }
0x1: {  	(tag) =	ssettag $0x0;
	lr =	simm.s32 $0x1  }
0x2: {  	[smem:$0x3F99] =	sst lr;
	_ =	strace $0xD0000000  }
0x3: {  	_ = 	snop  }
0x4: {  	_ = 	snop  }
0x5: {  	_ = 	snop  }
0x6: {  	_ = 	snop  }
0x7: {  	_ = 	snop  }
__scs_overlays_trampoline_lowered:
0x8: {  	[smem:$0x3FA8] =	sst s0  }
0x9: {  	[smem:$0x3FA9] =	sst s1  }
0xa: {  	[smem:$0x3FAA] =	sst s2  }
0xb: {  	[smem:$0x3FAB] =	sst s3  }
0xc: {  	[smem:$0x3FAC] =	sst s4  }
0xd: {  	[smem:$0x3FAD] =	sst s5  }
0xe: {  	[smem:$0x3FAE] =	sst s6  }
0xf: {  	[smem:$0x3FAF] =	sst s7  }
0x10: {  	[smem:$0x3FB0] =	sst s8  }
0x11: {  	[smem:$0x3FB1] =	sst s9;
	s0 =	simm.s32 @!p0 $0x0  }
0x12: {  	s1 =	sld [smem:$0x3F97];
	s0 =	simm.s32 @p0 $0x1  }
0x13: {  	[smem:$0x3FB2] =	sst s0;
	s0 =	simm.s32 @!p1 $0x0  }
0x14: {  	s2 =	sld [smem:$0x3F96];
	s0 =	simm.s32 @p1 $0x1  }
0x15: {  	[smem:$0x3FB3] =	sst s0;
	s0 =	simm.s32 @!p2 $0x0  }
0x16: {  	s3 =	sld [smem:$0x3FDB];
	s0 =	simm.s32 @p2 $0x1  }
0x17: {  	s4 =	simm.s32 $0x1BF5;
	[smem:$0x3FB5] =	sst s0  }
0x18: {  	s0 =	sld [smem:$0x3F98];
	_ =	swait.ge [sflag:s4], $0x0  }
0x19: {  	s7 =	sld [smem:$0x3F99]  }
0x1a: {  	s8 =	sadd.s32 $0xFFFFE003, lr  }
0x1b: {  	s9 =	sadd.s32 $0xFFFFFEF7, lr;
	s5 =	simm.s32 $0xFFFFFFFF;
	p2 =	slt.u32 s8, $0xFFFFF086  }
0x1c: {  	p1 =	slt.u32 s9, $0xF7A;
	s5 =	simm.s32 @!p2 $0x0  }
0x1d: {  	s5 =	simm.s32 @p1 $0x1;
	p0 =	seq.s32 s7, s2  }
0x1e: {  	s7 =	smul.u32 @!p0 $0xF7A, s2;
	p2 =	seq.s32 @!p0 s5, $0x0  }
0x1f: {  	s9 =	smul.u32 $0xF7A, s1;
	s8 =	simm.s32 @!p0 $0x1BF5;
	p2 =	por !p2, p0  }
0x20: {  	[sflag:s8] =	ssyncset.s32 @!p0 $0xFFFFF086;
	s6 =	sadd.s32 @!p0 s3, s7;
	s7 =	simm.s32 @!p0 $0x108  }
0x21: {  	s3 =	sadd.s32 s3, s9;
	s6 =	sadd.s32 @!p0 $0x88, s6;
	s7 =	simm.s32 @p2 $0x1082  }
0x22: {  	[simem:s7], [sflag:s8] =	dma.local @!p0 [hbm:s6], $0xF7A  }
0x23: {  	s9 =	sor.u32 $0xD0000000, s2;
	s6 =	simm.s32 $0x108;
	_ =	swait.ge @!p0 [sflag:s8], $0x0  }
0x24: {  	s3 =	sadd.s32 $0x88, s3;
	s6 =	simm.s32 @!p1 $0x1082;
	[sflag:s4] =	ssyncset.s32 $0xFFFFF086  }
0x25: {  	[simem:s6], [sflag:s4] =	dma.local [hbm:s3], $0xF7A  }
0x26: {  	[smem:$0x3F99] =	sst s1;
	(tag) =	ssettag s2;
	_ =	strace s9  }
0x27: {  	s1 =	sld [smem:$0x3FA9]  }
0x28: {  	s2 =	sld [smem:$0x3FAA]  }
0x29: {  	s4 =	sld [smem:$0x3FAC]  }
0x2a: {  	p0 =	seq.s32 s5, $0x0;
	s5 =	sld [smem:$0x3FAD]  }
0x2b: {  	s6 =	sld [smem:$0x3FAE]  }
0x2c: {  	s7 =	sld [smem:$0x3FAF]  }
0x2d: {  	s3 =	simm.s32 $0x108;
	s8 =	sld [smem:$0x3FB0]  }
0x2e: {  	s3 =	simm.s32 @!p0 $0x1082;
	s9 =	sld [smem:$0x3FB1]  }
0x2f: {  	lr =	sadd.s32 s0, s3;
	s0 =	sld [smem:$0x3FA8]  }
0x30: {  	s3 =	sld [smem:$0x3FAB]  }
0x31: {  	[smem:$0x3FB4] =	sst s10  }
0x32: {  	s10 =	sld [smem:$0x3FB2];
	_ =	sdelay $0x3  }
0x33: {  	p0 =	seq.s32 s10, $0x1;
	s10 =	sld [smem:$0x3FB4];
	_ =	sdelay $0x3  }
0x34: {  	[smem:$0x3FB4] =	sst s10  }
0x35: {  	s10 =	sld [smem:$0x3FB3];
	_ =	sdelay $0x3  }
0x36: {  	p1 =	seq.s32 s10, $0x1;
	s10 =	sld [smem:$0x3FB4];
	_ =	sdelay $0x3  }
0x37: {  	[smem:$0x3FB4] =	sst s10  }
0x38: {  	s10 =	sld [smem:$0x3FB5]  }
0x39: {  	_ = 	snop;
	(pc) =	sbr.ind lr, $3  }
0x3a: {  	_ = 	snop  }
0x3b: {  	_ = 	snop  }
0x3c: {  	p2 =	seq.s32 s10, $0x1;
	s10 =	sld [smem:$0x3FB4]  }
0x3d: {  	_ =	shalt  }
0x3e: {  	_ =	shalt  }
0x3f: {  	_ =	shalt  }
0x40: {  	_ =	shalt  }
0x41: {  	_ =	shalt  }
0x42: {  	_ =	shalt  }
0x43: {  	_ =	shalt  }
0x44: {  	_ =	shalt  }
0x45: {  	_ =	shalt  }
0x46: {  	_ =	shalt  }
0x47: {  	_ =	shalt  }
0x48: {  	_ =	shalt  }
0x49: {  	_ =	shalt  }
0x4a: {  	_ =	shalt  }
0x4b: {  	_ =	shalt  }
0x4c: {  	_ =	shalt  }
0x4d: {  	_ =	shalt  }
0x4e: {  	_ =	shalt  }
0x4f: {  	_ =	shalt  }
0x50: {  	_ =	shalt  }
0x51: {  	_ =	shalt  }
0x52: {  	_ =	shalt  }
0x53: {  	_ =	shalt  }
0x54: {  	_ =	shalt  }
0x55: {  	_ =	shalt  }
0x56: {  	_ =	shalt  }
0x57: {  	_ =	shalt  }
0x58: {  	_ =	shalt  }
0x59: {  	_ =	shalt  }
0x5a: {  	_ =	shalt  }
0x5b: {  	_ =	shalt  }
0x5c: {  	_ =	shalt  }
0x5d: {  	_ =	shalt  }
0x5e: {  	_ =	shalt  }
0x5f: {  	_ =	shalt  }
0x60: {  	_ =	shalt  }
0x61: {  	_ =	shalt  }
0x62: {  	_ =	shalt  }
0x63: {  	_ =	shalt  }
0x64: {  	_ =	shalt  }
0x65: {  	_ =	shalt  }
0x66: {  	_ =	shalt  }
0x67: {  	_ =	shalt  }
0x68: {  	_ =	shalt  }
0x69: {  	_ =	shalt  }
0x6a: {  	_ =	shalt  }
0x6b: {  	_ =	shalt  }
0x6c: {  	_ =	shalt  }
0x6d: {  	_ =	shalt  }
0x6e: {  	_ =	shalt  }
0x6f: {  	_ =	shalt  }
0x70: {  	_ =	shalt  }
0x71: {  	_ =	shalt  }
0x72: {  	_ =	shalt  }
0x73: {  	_ =	shalt  }
0x74: {  	_ =	shalt  }
0x75: {  	_ =	shalt  }
0x76: {  	_ =	shalt  }
0x77: {  	_ =	shalt  }
0x78: {  	_ =	shalt  }
0x79: {  	_ =	shalt  }
0x7a: {  	_ =	shalt  }
0x7b: {  	_ =	shalt  }
0x7c: {  	_ =	shalt  }
0x7d: {  	_ =	shalt  }
0x7e: {  	_ =	shalt  }
0x7f: {  	_ =	shalt  }
0x80: {  	_ =	shalt  }
0x81: {  	_ =	shalt  }
0x82: {  	_ =	shalt  }
0x83: {  	_ =	shalt  }
0x84: {  	_ =	shalt  }
0x85: {  	_ =	shalt  }
0x86: {  	_ =	shalt  }
0x87: {  	_ =	shalt  }
.Lfunc_end0:
.L_simem_size_0:
called_computation.1_lowered:
.L_overlay_start_0:
0x88: {  	s2 =	sld [smem:$0x3FD9]  }
0x89: {  	s3 =	sld [smem:$0x3FFE];
	_ =	sdelay $0x1  }
0x8a: {  	s1 =	srdreg.scid  }
0x8b: {  	s0 =	sand.u32 $0x1, s1  }
0x8c: {  	s17 =	sshll.u32 s0, $0xA;
	s2 =	sadd.s32 s3, s2  }
0x8d: {  	s2 =	sadd.s32 s2, s17  }
0x8e: {  	[smem:$0x3FC0] =	sst s2  }
0x8f: {  	_ = 	snop  }
0x90: {  	s2 =	sld [smem:$0x3FC7]  }
0x91: {  	s18 =	sld [smem:$0x3FD0];
	(tm) =	ssettm $0x1  }
0x92: {  	s4 =	sld [smem:$0x3FFB];
	_ =	sdelay $0x3  }
0x93: {  	_ =	strace s4  }
0x94: {  	s4 =	sld [smem:$0x3FFC];
	_ =	sdelay $0x3  }
0x95: {  	_ =	strace s4  }
0x96: {  	s4 =	sld [smem:$0x3FFD];
	_ =	sdelay $0x3  }
0x97: {  	_ =	strace s4  }
0x98: {  	_ =	strace $0x8FFFFFFF  }
0x99: {  	s19 =	sld [smem:$0x3FDB];
	_ =	sdelay $0x1  }
0x9a: {  	s5 =	simm.s32 $_scs_section_size  }
0x9b: {  	s6 =	simm.s32 $_size__tile_overlayer_lowered;
	s7 =	simm.s32 $_tile_overlayer_lowered  }
0x9c: {  	s22 =	simm.s32 $0x1BFF;
	s21 =	sshll.u32 s7, $0x1;
	s4 =	sadd.s32 s5, s19  }
0x9d: {  	s8 =	simm.s32 $0x0;
	s20 =	sshll.u32 s6, $0x1;
	s6 =	sadd.s32 s21, s4  }
0x9e: {  	[timem:s8], [sflag:s22] =	dma.local [hbm:s6], s20  }
0x9f: {  	_ =	swait.ge [sflag:s22], s20  }
0xa0: {  	s5 =	ssub.s32 $0x0, s20;
	[sflag:s22] =	ssyncset.done $0x0  }
0xa1: {  	[sflag:s22] =	ssyncadd.s32 s5;
	_ =	sdelay $0x1  }
0xa2: {  	s23 =	simm.s32 $0x1B8B  }
0xa3: {  	_ =	swait.ge [sflag:s23], $0x1  }
0xa4: {  	[sflag:s23] =	ssyncset.done $0x0  }
0xa5: {  	s25 =	simm.s32 $0x1B8E;
	s24 =	sld [smem:$0x3FFE];
	[sflag:s23] =	ssyncadd.s32 $0xFFFFFFFF  }
0xa6: {  	s26 =	simm.s32 $execute0_lowered;
	[smem:$0x3FD2] =	sst s25  }
0xa7: {  	s6 =	sshll.u32 s26, $0x1;
	_ =	strace $0x80000046;
	[dreg:$0x1] =	wrdreg $0xFFFFFFFF  }
0xa8: {  	s28 =	simm.s32 $_size_execute0_lowered;
	s4 =	sadd.s32 s4, s6;
	[dreg:$0x0] =	wrdreg $0x0  }
0xa9: {  	s6 =	sshll.u32 s28, $0x1;
	[dreg:$0x2] =	wrdreg s4  }
0xaa: {  	[dreg:$0x3] =	wrdreg s6  }
0xab: {  	[dreg:$0x4] =	wrdreg $0xC0  }
0xac: {  	_ =	task [dreg:s8], $0x5FFFF  }
0xad: {  	[dreg:$0x1] =	wrdreg $0xFFFFFFFF  }
0xae: {  	[dreg:$0x0] =	wrdreg $0x60  }
0xaf: {  	[dreg:$0x2] =	wrdreg s2  }
0xb0: {  	[dreg:$0x3] =	wrdreg s24  }
0xb1: {  	[dreg:$0x4] =	wrdreg s18  }
0xb2: {  	[dreg:$0x5] =	wrdreg $0x9  }
0xb3: {  	_ =	task.clear_ibuf [dreg:s8], $0x6FFFF;
	_ =	strace $0x90000046  }
0xb4: {  	s29 =	simm.s32 $0x9;
	_ =	strace $0x80000048  }
0xb5: {  	_ =	swait.ge [sflag:s29], $0x1  }
0xb6: {  	[sflag:s29] =	ssyncadd.s32 $0xFFFFFFFF  }
0xb7: {  	_ =	strace $0x90000048  }
0xb8: {  	_ =	sfence  }
0xb9: {  	s30 =	sld [smem:$0x0];
	_ =	sdelay $0x2  }
0xba: {  	s31 =	sshll.u32 s1, $0xD;
	s1 =	sshrl.u32 s1, $0x2  }
0xbb: {  	s3 =	sand.u32 $0x4000, s31;
	s1 =	sadd.s32 s1, s30  }
0xbc: {  	s0 =	sor.u32 s3, s0;
	s1 =	sshll.u32 s1, $0x11  }
0xbd: {  	s0 =	sor.u32 s1, s0  }
0xbe: {  	s0 =	sadd.s32 $0x8F2B, s0  }
0xbf: {  	[sflag:s0] =	ssyncadd.remote.s32 $0x1  }
0xc0: {  	_ =	sfence.sel $0xFFFF  }
0xc1: {  	[dreg:$0x0] =	wrdreg $0xFFFFFFFF;
	(pc) =	sbr.abs _section_cstart, $3  }
0xc2: {  	[dreg:$0x1] =	wrdreg $0xFFFFFFFF  }
0xc3: {  	_ =	task.clear_ibuf [dreg:s8], $0x2FFFF;
	_ =	strace $0x9FFFFFFF  }
0xc4: {  	(tm) =	ssettm $0x7FFFFFFF  }
0xc5: {  	_ =	shalt  }
tec
execute0_lowered:
.L_overlay_start_1:
0x0: {  	(tag) =	ssettag $0x1  }
0x1: {  	s0 =	srdreg.scid  }
0x2: {  	s0 =	sand.u32 $0x1, s0  }
0x3: {  	s3 =	stileid.u32;
	s1 =	sshll.u32 s0, $0x4  }
0x4: {  	s4 =	sand.u32 $0x7, s3;
	s2 =	sor.u32 s3, s1  }
0x5: {  	s5 =	rddreg [dreg:$0x1];
	p0 =	sne.s32 s4, $0x0;
	p1 =	seq.s32 s2, $0x0  }
0x6: {  	s7 =	rddreg [dreg:$0x2];
	p1 =	por !p0, !p1  }
0x7: {  	s25 =	simm.s32 $0x180;
	s3 =	simm.s32 $0x1;
	p1 =	por !p1, !p1  }
0x8: {  	s6 =	sshrl.u32 s2, $0x3;
	s2 =	smul.u32 $0x22, s2;
	s3 =	simm.s32 @!p1 $0x0  }
0x9: {  	s1 =	rddreg [dreg:$0x0];
	s6 =	ssub.s32 s6, s3;
	s3 =	simm.s32 $0x0  }
0xa: {  	s26 =	simm.s32 $0x1E0;
	s2 =	sadd.s32 s7, s2;
	[smem:$0x7FF] =	sst s3  }
0xb: {  	s14 =	sadd.s32 $0x1400, s5;
	_ =	strace $0x80000047;
	[dreg:$0x4] =	wrdreg s2  }
0xc: {  	s28 =	simm.s32 $0x50;
	s30 =	simm.s32 $0xC0;
	[dreg:$0x13] =	wrdreg s14  }
0xd: {  	s31 =	simm.s32 $0x240;
	s29 =	simm.s32 $0x2;
	[dreg:$0xe] =	wrdreg s25  }
0xe: {  	s11 =	sadd.s32 $0x1800, s5;
	s8 =	smul.u32 $0x810, s6;
	[dreg:$0xf] =	wrdreg s26  }
0xf: {  	s5 =	simm.s32 $0x1;
	s9 =	sshll.u32 s4, $0x12;
	[dreg:$0x10] =	wrdreg s28  }
0x10: {  	s6 =	smul.u32 $0x204000, s6;
	[dreg:$0x11] =	wrdreg s30;
	s8 =	sadd.s32 $0x10, s8  }
0x11: {  	s4 =	sshll.u32 s4, $0x8;
	[dreg:$0x12] =	wrdreg s31;
	s10 =	sshll.u32 s8, $0xA  }
0x12: {  	s23 =	sshrl.u32 s6, $0x3;
	s4 =	sadd.s32 s4, s8;
	s9 =	sadd.s32 s9, s10  }
0x13: {  	s24 =	sadd.s32 s11, s23;
	s4 =	sshll.u32 s4, $0x7;
	s10 =	sshrl.u32 s9, $0x3  }
0x14: {  	[dreg:$0xd] =	wrdreg s24;
	s13 =	sadd.s32 s11, s4;
	s12 =	sadd.s32 s11, s10  }
0x15: {  	s0 =	ssub.s32 $0x2, s0;
	s15 =	sadd.s32 $0x1000, s13;
	[dreg:$0x5] =	wrdreg s12  }
0x16: {  	s17 =	sshrl.u32 s0, $0x1;
	s16 =	sadd.s32 $0x2000, s13;
	[dreg:$0x6] =	wrdreg s15  }
0x17: {  	s0 =	ssub.s32 s0, s17;
	s18 =	sadd.s32 $0x3000, s13;
	[dreg:$0x7] =	wrdreg s16  }
0x18: {  	s7 =	sadd.s32 $0x200, s1;
	s19 =	sadd.s32 $0x4000, s13;
	[dreg:$0x8] =	wrdreg s18  }
0x19: {  	s6 =	sadd.s32 $0x100, s1;
	s20 =	sadd.s32 $0x5000, s13;
	[dreg:$0x9] =	wrdreg s19  }
0x1a: {  	v2 =	vlaneseq.u32;
	s8 =	sadd.s32 $0x300, s1;
	s21 =	sadd.s32 $0x6000, s13;
	[dreg:$0xa] =	wrdreg s20  }
0x1b: {  	vm0 =	vmmov $0xffff;
	v1 =	vshrl.u32 v2, $0x3;
	v0 =	vand.u32 $0x7, v2;
	s23 =	simm.s32 $0x3;
	s22 =	sadd.s32 $0x7000, s13;
	[dreg:$0xb] =	wrdreg s21  }
0x1c: {  	v2 =	vor.u32 $0x8, v2;
	v1 =	vmul.u32 $0x8, v1;
	vm1 =	vmmov @!p0 $0xffff;
	s24 =	simm.s32 $0x4;
	s9 =	smax.u32 s0, $0x1;
	[dreg:$0xc] =	wrdreg s22  }
.LBB2_1:
0x1d: {  	s25 =	rddreg [dreg:$0x4];
	s26 =	simm.s32 $0x6  }
0x1e: {  	[tilespmem:s3], [sflag:$0x6] =	stream.linear.gather [hbm4b:s25+s3], $0x110, $0x38;
	[tilespmem:$0x14300] =	vst v63  }
0x1f: {  	_ =	swait.ge [sflag:s26], $0x110  }
0x20: {  	s22 =	rddreg [dreg:$0xe]  }
0x21: {  	s0 =	rddreg [dreg:$0x13]  }
0x22: {  	[sflag:s26] =	ssyncset.done $0x0;
	s30 =	rddreg [dreg:$0x10]  }
0x23: {  	s2 =	simm.s32 $0x60;
	s28 =	rddreg [dreg:$0x11];
	[sflag:s26] =	ssyncadd.s32 $0xFFFFFEF0  }
0x24: {  	[tilespmem:s22], [sflag:$0x1] =	stream.indirect.gather [hbm4b:s0+s2], $0x1, s3, s2, $0xb8;
	[tilespmem:$0x14300] =	vst v63  }
0x25: {  	s26 =	rddreg [dreg:$0xf]  }
0x26: {  	[tilespmem:s26], [sflag:$0x2] =	stream.indirect.gather [hbm4b:s0+s2], $0x1, s2, s2, $0xb8;
	[tilespmem:$0x14300] =	vst v63  }
0x27: {  	s31 =	rddreg [dreg:$0x12]  }
0x28: {  	[tilespmem:s31], [sflag:$0x3] =	stream.indirect.gather [hbm4b:s0+s30], $0x1, s28, s30, $0xb8;
	[tilespmem:$0x14300] =	vst v63  }
0x29: {  	_ =	swait.ge [sflag:s5], $0x60  }
0x2a: {  	[sflag:s5] =	ssyncset.done $0x0  }
0x2b: {  	[sflag:s5] =	ssyncadd.s32 $0xFFFFFFA0  }
0x2c: {  	v3 =	vld [tilespmem:$0x190];
	_ =	sdelay $0x4  }
0x2d: {  	v4 =	vshll.u32 v3, $0x3  }
0x2e: {  	v3 =	vand.u32 $0x7, v3;
	v4 =	vand.u32 $0xFFFFFFC0, v4  }
0x2f: {  	v3 =	vor.u32 v3, v4  }
0x30: {  	v4 =	vperm.xlane v3, v0;
	_ =	sdelay $0x1  }
0x31: {  	v4 =	vadd.s32 v1, v4;
	_ =	sdelay $0x3  }
0x32: {  	s31 =	simm.s32 $0x300  }
0x33: {  	[tilespmem:s31], [sflag:$0x1] =	stream.indirect_vreg.gather [hbm4b:s1+s3], $0x80, v4, vm0, $0xb8;
	[tilespmem:$0x14300] =	vst v63  }
0x34: {  	s2 =	simm.s32 $0xB00;
	v3 =	vperm.xlane v3, v2  }
0x35: {  	[tilespmem:s2], [sflag:$0x1] =	stream.indirect_vreg.gather [hbm4b:s6+s3], $0x80, v4, vm0, $0xb8;
	[tilespmem:$0x14300] =	vst v63  }
0x36: {  	s4 =	simm.s32 $0x1300;
	v3 =	vadd.s32 v1, v3  }
0x37: {  	[tilespmem:s4], [sflag:$0x1] =	stream.indirect_vreg.gather [hbm4b:s7+s3], $0x80, v4, vm0, $0xb8;
	[tilespmem:$0x14300] =	vst v63  }
0x38: {  	s11 =	simm.s32 $0x1B00  }
0x39: {  	[tilespmem:s11], [sflag:$0x1] =	stream.indirect_vreg.gather [hbm4b:s8+s3], $0x80, v4, vm0, $0xb8;
	[tilespmem:$0x14300] =	vst v63  }
0x3a: {  	s12 =	simm.s32 $0x2300  }
0x3b: {  	[tilespmem:s12], [sflag:$0x1] =	stream.indirect_vreg.gather [hbm4b:s1+s3], $0x80, v3, vm0, $0xb8;
	[tilespmem:$0x14300] =	vst v63  }
0x3c: {  	s13 =	simm.s32 $0x2B00  }
0x3d: {  	[tilespmem:s13], [sflag:$0x1] =	stream.indirect_vreg.gather [hbm4b:s6+s3], $0x80, v3, vm0, $0xb8;
	[tilespmem:$0x14300] =	vst v63  }
0x3e: {  	s14 =	simm.s32 $0x3300  }
0x3f: {  	[tilespmem:s14], [sflag:$0x1] =	stream.indirect_vreg.gather [hbm4b:s7+s3], $0x80, v3, vm0, $0xb8;
	[tilespmem:$0x14300] =	vst v63  }
0x40: {  	s15 =	simm.s32 $0x3B00  }
0x41: {  	[tilespmem:s15], [sflag:$0x1] =	stream.indirect_vreg.gather [hbm4b:s8+s3], $0x80, v3, vm0, $0xb8;
	[tilespmem:$0x14300] =	vst v63  }
0x42: {  	v3 =	vld [tilespmem:$0x1A0];
	_ =	sdelay $0x4  }
0x43: {  	v49 =	vshll.u32 v3, $0x3  }
0x44: {  	v3 =	vand.u32 $0x7, v3;
	v4 =	vand.u32 $0xFFFFFFC0, v49  }
0x45: {  	v3 =	vor.u32 v3, v4  }
0x46: {  	v4 =	vperm.xlane v3, v0;
	_ =	sdelay $0x1  }
0x47: {  	v4 =	vadd.s32 v1, v4;
	_ =	sdelay $0x3  }
0x48: {  	s16 =	simm.s32 $0x4300  }
0x49: {  	[tilespmem:s16], [sflag:$0x1] =	stream.indirect_vreg.gather [hbm4b:s1+s3], $0x80, v4, vm0, $0xb8;
	[tilespmem:$0x14300] =	vst v63  }
0x4a: {  	s17 =	simm.s32 $0x4B00;
	v3 =	vperm.xlane v3, v2  }
0x4b: {  	[tilespmem:s17], [sflag:$0x1] =	stream.indirect_vreg.gather [hbm4b:s6+s3], $0x80, v4, vm0, $0xb8;
	[tilespmem:$0x14300] =	vst v63  }
0x4c: {  	s18 =	simm.s32 $0x5300;
	v3 =	vadd.s32 v1, v3  }
0x4d: {  	[tilespmem:s18], [sflag:$0x1] =	stream.indirect_vreg.gather [hbm4b:s7+s3], $0x80, v4, vm0, $0xb8;
	[tilespmem:$0x14300] =	vst v63  }
0x4e: {  	s19 =	simm.s32 $0x5B00  }
0x4f: {  	[tilespmem:s19], [sflag:$0x1] =	stream.indirect_vreg.gather [hbm4b:s8+s3], $0x80, v4, vm0, $0xb8;
	[tilespmem:$0x14300] =	vst v63  }
0x50: {  	s20 =	simm.s32 $0x6300  }
0x51: {  	[tilespmem:s20], [sflag:$0x1] =	stream.indirect_vreg.gather [hbm4b:s1+s3], $0x80, v3, vm0, $0xb8;
	[tilespmem:$0x14300] =	vst v63  }
0x52: {  	s21 =	simm.s32 $0x6B00  }
0x53: {  	[tilespmem:s21], [sflag:$0x1] =	stream.indirect_vreg.gather [hbm4b:s6+s3], $0x80, v3, vm0, $0xb8;
	[tilespmem:$0x14300] =	vst v63  }
0x54: {  	s22 =	simm.s32 $0x7300  }
0x55: {  	[tilespmem:s22], [sflag:$0x1] =	stream.indirect_vreg.gather [hbm4b:s7+s3], $0x80, v3, vm0, $0xb8;
	[tilespmem:$0x14300] =	vst v63  }
0x56: {  	s25 =	simm.s32 $0x7B00  }
0x57: {  	[tilespmem:s25], [sflag:$0x1] =	stream.indirect_vreg.gather [hbm4b:s8+s3], $0x80, v3, vm0, $0xb8;
	[tilespmem:$0x14300] =	vst v63  }
0x58: {  	v3 =	vld @!p0 [tilespmem:$0x180];
	_ =	sdelay $0x4  }
0x59: {  	v4 =	vshll.u32 @!p0 v3, $0x3  }
0x5a: {  	v5 =	vlaneseq.u32 @!p0;
	v3 =	vand.u32 @!p0 $0x7, v3;
	v4 =	vand.u32 @!p0 $0xFFFFFFC0, v4  }
0x5b: {  	v6 =	vshrl.u32 @!p0 v5, $0x3;
	v3 =	vor.u32 @!p0 v3, v4;
	v4 =	vand.u32 @!p0 $0x7, v5  }
0x5c: {  	v6 =	vmul.u32 @!p0 $0x8, v6;
	v4 =	vperm.xlane @!p0 v3, v4;
	_ =	sdelay $0x1  }
0x5d: {  	v4 =	vadd.s32 @!p0 v6, v4;
	_ =	sdelay $0x3  }
0x5e: {  	s0 =	simm.s32 @!p0 $0x10300;
	s25 =	simm.s32 @!p0 $0x0  }
0x5f: {  	v5 =	vor.u32 @!p0 $0x8, v5;
	[tilespmem:s0], [sflag:$0x5] =	stream.indirect_vreg.gather @!p0 [hbm4b:s1+s25], $0x80, v4, vm1, $0xb8;
	[tilespmem:$0x14300] =	vst v63  }
0x60: {  	s26 =	simm.s32 @!p0 $0x10B00;
	v3 =	vperm.xlane @!p0 v3, v5  }
0x61: {  	[tilespmem:s26], [sflag:$0x5] =	stream.indirect_vreg.gather @!p0 [hbm4b:s6+s25], $0x80, v4, vm1, $0xb8;
	[tilespmem:$0x14300] =	vst v63  }
0x62: {  	v3 =	vadd.s32 @!p0 v6, v3;
	s26 =	simm.s32 @!p0 $0x11300  }
0x63: {  	[tilespmem:s26], [sflag:$0x5] =	stream.indirect_vreg.gather @!p0 [hbm4b:s7+s25], $0x80, v4, vm1, $0xb8;
	[tilespmem:$0x14300] =	vst v63  }
0x64: {  	s26 =	simm.s32 @!p0 $0x11B00  }
0x65: {  	[tilespmem:s26], [sflag:$0x5] =	stream.indirect_vreg.gather @!p0 [hbm4b:s8+s25], $0x80, v4, vm1, $0xb8;
	[tilespmem:$0x14300] =	vst v63  }
0x66: {  	s26 =	simm.s32 @!p0 $0x12300  }
0x67: {  	[tilespmem:s26], [sflag:$0x5] =	stream.indirect_vreg.gather @!p0 [hbm4b:s1+s25], $0x80, v3, vm1, $0xb8;
	[tilespmem:$0x14300] =	vst v63  }
0x68: {  	s26 =	simm.s32 @!p0 $0x12B00  }
0x69: {  	[tilespmem:s26], [sflag:$0x5] =	stream.indirect_vreg.gather @!p0 [hbm4b:s6+s25], $0x80, v3, vm1, $0xb8;
	[tilespmem:$0x14300] =	vst v63  }
0x6a: {  	s26 =	simm.s32 @!p0 $0x13300  }
0x6b: {  	[tilespmem:s26], [sflag:$0x5] =	stream.indirect_vreg.gather @!p0 [hbm4b:s7+s25], $0x80, v3, vm1, $0xb8;
	[tilespmem:$0x14300] =	vst v63  }
0x6c: {  	s26 =	simm.s32 @!p0 $0x13B00  }
0x6d: {  	[tilespmem:s26], [sflag:$0x5] =	stream.indirect_vreg.gather @!p0 [hbm4b:s8+s25], $0x80, v3, vm1, $0xb8;
	[tilespmem:$0x14300] =	vst v63  }
0x6e: {  	_ =	swait.ge [sflag:s29], $0x60  }
0x6f: {  	[sflag:s29] =	ssyncset.done $0x0  }
0x70: {  	[sflag:s29] =	ssyncadd.s32 $0xFFFFFFA0  }
0x71: {  	v3 =	vld [tilespmem:$0x1B0];
	_ =	sdelay $0x4  }
0x72: {  	v50 =	vshll.u32 v3, $0x3  }
0x73: {  	v3 =	vand.u32 $0x7, v3;
	v4 =	vand.u32 $0xFFFFFFC0, v50  }
0x74: {  	v3 =	vor.u32 v3, v4  }
0x75: {  	v4 =	vperm.xlane v3, v0;
	_ =	sdelay $0x1  }
0x76: {  	v4 =	vadd.s32 v1, v4;
	_ =	sdelay $0x3  }
0x77: {  	s0 =	simm.s32 $0x8300  }
0x78: {  	[tilespmem:s0], [sflag:$0x2] =	stream.indirect_vreg.gather [hbm4b:s1+s3], $0x80, v4, vm0, $0xb8;
	[tilespmem:$0x14300] =	vst v63  }
0x79: {  	s14 =	simm.s32 $0x8B00;
	v3 =	vperm.xlane v3, v2  }
0x7a: {  	[tilespmem:s14], [sflag:$0x2] =	stream.indirect_vreg.gather [hbm4b:s6+s3], $0x80, v4, vm0, $0xb8;
	[tilespmem:$0x14300] =	vst v63  }
0x7b: {  	s26 =	simm.s32 $0x9300;
	v3 =	vadd.s32 v1, v3  }
0x7c: {  	[tilespmem:s26], [sflag:$0x2] =	stream.indirect_vreg.gather [hbm4b:s7+s3], $0x80, v4, vm0, $0xb8;
	[tilespmem:$0x14300] =	vst v63  }
0x7d: {  	s28 =	simm.s32 $0x9B00  }
0x7e: {  	[tilespmem:s28], [sflag:$0x2] =	stream.indirect_vreg.gather [hbm4b:s8+s3], $0x80, v4, vm0, $0xb8;
	[tilespmem:$0x14300] =	vst v63  }
0x7f: {  	s30 =	simm.s32 $0xA300  }
0x80: {  	[tilespmem:s30], [sflag:$0x2] =	stream.indirect_vreg.gather [hbm4b:s1+s3], $0x80, v3, vm0, $0xb8;
	[tilespmem:$0x14300] =	vst v63  }
0x81: {  	s15 =	simm.s32 $0xAB00  }
0x82: {  	[tilespmem:s15], [sflag:$0x2] =	stream.indirect_vreg.gather [hbm4b:s6+s3], $0x80, v3, vm0, $0xb8;
	[tilespmem:$0x14300] =	vst v63  }
0x83: {  	s19 =	simm.s32 $0xB300  }
0x84: {  	[tilespmem:s19], [sflag:$0x2] =	stream.indirect_vreg.gather [hbm4b:s7+s3], $0x80, v3, vm0, $0xb8;
	[tilespmem:$0x14300] =	vst v63  }
0x85: {  	s20 =	simm.s32 $0xBB00  }
0x86: {  	[tilespmem:s20], [sflag:$0x2] =	stream.indirect_vreg.gather [hbm4b:s8+s3], $0x80, v3, vm0, $0xb8;
	[tilespmem:$0x14300] =	vst v63  }
0x87: {  	v3 =	vld [tilespmem:$0x1C0];
	_ =	sdelay $0x4  }
0x88: {  	v51 =	vshll.u32 v3, $0x3  }
0x89: {  	v3 =	vand.u32 $0x7, v3;
	v4 =	vand.u32 $0xFFFFFFC0, v51  }
0x8a: {  	v3 =	vor.u32 v3, v4  }
0x8b: {  	v4 =	vperm.xlane v3, v0;
	_ =	sdelay $0x1  }
0x8c: {  	v4 =	vadd.s32 v1, v4;
	_ =	sdelay $0x3  }
0x8d: {  	s21 =	simm.s32 $0xC300  }
0x8e: {  	[tilespmem:s21], [sflag:$0x2] =	stream.indirect_vreg.gather [hbm4b:s1+s3], $0x80, v4, vm0, $0xb8;
	[tilespmem:$0x14300] =	vst v63  }
0x8f: {  	s22 =	simm.s32 $0xCB00;
	v3 =	vperm.xlane v3, v2  }
0x90: {  	[tilespmem:s22], [sflag:$0x2] =	stream.indirect_vreg.gather [hbm4b:s6+s3], $0x80, v4, vm0, $0xb8;
	[tilespmem:$0x14300] =	vst v63  }
0x91: {  	s26 =	simm.s32 $0xD300;
	v3 =	vadd.s32 v1, v3  }
0x92: {  	[tilespmem:s26], [sflag:$0x2] =	stream.indirect_vreg.gather [hbm4b:s7+s3], $0x80, v4, vm0, $0xb8;
	[tilespmem:$0x14300] =	vst v63  }
0x93: {  	s28 =	simm.s32 $0xDB00  }
0x94: {  	[tilespmem:s28], [sflag:$0x2] =	stream.indirect_vreg.gather [hbm4b:s8+s3], $0x80, v4, vm0, $0xb8;
	[tilespmem:$0x14300] =	vst v63  }
0x95: {  	s30 =	simm.s32 $0xE300  }
0x96: {  	[tilespmem:s30], [sflag:$0x2] =	stream.indirect_vreg.gather [hbm4b:s1+s3], $0x80, v3, vm0, $0xb8;
	[tilespmem:$0x14300] =	vst v63  }
0x97: {  	s15 =	simm.s32 $0xEB00  }
0x98: {  	[tilespmem:s15], [sflag:$0x2] =	stream.indirect_vreg.gather [hbm4b:s6+s3], $0x80, v3, vm0, $0xb8;
	[tilespmem:$0x14300] =	vst v63  }
0x99: {  	s21 =	simm.s32 $0xF300  }
0x9a: {  	[tilespmem:s21], [sflag:$0x2] =	stream.indirect_vreg.gather [hbm4b:s7+s3], $0x80, v3, vm0, $0xb8;
	[tilespmem:$0x14300] =	vst v63  }
0x9b: {  	s26 =	simm.s32 $0xFB00  }
0x9c: {  	[tilespmem:s26], [sflag:$0x2] =	stream.indirect_vreg.gather [hbm4b:s8+s3], $0x80, v3, vm0, $0xb8;
	[tilespmem:$0x14300] =	vst v63  }
0x9d: {  	_ =	swait.ge [sflag:s5], $0x8000  }
0x9e: {  	[sflag:s5] =	ssyncset.done $0x0  }
0x9f: {  	s28 =	rddreg [dreg:$0x5];
	[sflag:s5] =	ssyncadd.s32 $0xFFFF8000  }
0xa0: {  	[hbm4b:s28+s3] =	stream.linear.scatter [tilespmem:s31], [sflag:$0x3], $0x8000, $0x38;
	[tilespmem:$0x14300] =	vst v63  }
0xa1: {  	_ =	swait.ge [sflag:s23], $0x8000  }
0xa2: {  	[sflag:s23] =	ssyncset.done $0x0  }
0xa3: {  	[sflag:s23] =	ssyncadd.s32 $0xFFFF8000  }
0xa4: {  	v3 =	vld [tilespmem:$0x1D0];
	_ =	sdelay $0x4  }
0xa5: {  	v52 =	vshll.u32 v3, $0x3  }
0xa6: {  	v3 =	vand.u32 $0x7, v3;
	v4 =	vand.u32 $0xFFFFFFC0, v52  }
0xa7: {  	v3 =	vor.u32 v3, v4  }
0xa8: {  	v4 =	vperm.xlane v3, v0;
	_ =	sdelay $0x1  }
0xa9: {  	v4 =	vadd.s32 v1, v4;
	_ =	sdelay $0x4  }
0xaa: {  	[tilespmem:s31], [sflag:$0x1] =	stream.indirect_vreg.gather [hbm4b:s1+s3], $0x80, v4, vm0, $0xb8;
	[tilespmem:$0x14300] =	vst v63  }
0xab: {  	s10 =	simm.s32 $0xB00;
	v3 =	vperm.xlane v3, v2  }
0xac: {  	[tilespmem:s10], [sflag:$0x1] =	stream.indirect_vreg.gather [hbm4b:s6+s3], $0x80, v4, vm0, $0xb8;
	[tilespmem:$0x14300] =	vst v63  }
0xad: {  	s2 =	simm.s32 $0x1300;
	v3 =	vadd.s32 v1, v3  }
0xae: {  	[tilespmem:s2], [sflag:$0x1] =	stream.indirect_vreg.gather [hbm4b:s7+s3], $0x80, v4, vm0, $0xb8;
	[tilespmem:$0x14300] =	vst v63  }
0xaf: {  	s4 =	simm.s32 $0x1B00  }
0xb0: {  	[tilespmem:s4], [sflag:$0x1] =	stream.indirect_vreg.gather [hbm4b:s8+s3], $0x80, v4, vm0, $0xb8;
	[tilespmem:$0x14300] =	vst v63  }
0xb1: {  	s21 =	simm.s32 $0x2300  }
0xb2: {  	[tilespmem:s21], [sflag:$0x1] =	stream.indirect_vreg.gather [hbm4b:s1+s3], $0x80, v3, vm0, $0xb8;
	[tilespmem:$0x14300] =	vst v63  }
0xb3: {  	s2 =	simm.s32 $0x2B00  }
0xb4: {  	[tilespmem:s2], [sflag:$0x1] =	stream.indirect_vreg.gather [hbm4b:s6+s3], $0x80, v3, vm0, $0xb8;
	[tilespmem:$0x14300] =	vst v63  }
0xb5: {  	s4 =	simm.s32 $0x3300  }
0xb6: {  	[tilespmem:s4], [sflag:$0x1] =	stream.indirect_vreg.gather [hbm4b:s7+s3], $0x80, v3, vm0, $0xb8;
	[tilespmem:$0x14300] =	vst v63  }
0xb7: {  	s11 =	simm.s32 $0x3B00  }
0xb8: {  	[tilespmem:s11], [sflag:$0x1] =	stream.indirect_vreg.gather [hbm4b:s8+s3], $0x80, v3, vm0, $0xb8;
	[tilespmem:$0x14300] =	vst v63  }
0xb9: {  	v3 =	vld [tilespmem:$0x1E0];
	_ =	sdelay $0x4  }
0xba: {  	v53 =	vshll.u32 v3, $0x3  }
0xbb: {  	v3 =	vand.u32 $0x7, v3;
	v4 =	vand.u32 $0xFFFFFFC0, v53  }
0xbc: {  	v3 =	vor.u32 v3, v4  }
0xbd: {  	v4 =	vperm.xlane v3, v0;
	_ =	sdelay $0x1  }
0xbe: {  	v4 =	vadd.s32 v1, v4;
	_ =	sdelay $0x3  }
0xbf: {  	s12 =	simm.s32 $0x4300  }
0xc0: {  	[tilespmem:s12], [sflag:$0x1] =	stream.indirect_vreg.gather [hbm4b:s1+s3], $0x80, v4, vm0, $0xb8;
	[tilespmem:$0x14300] =	vst v63  }
0xc1: {  	s13 =	simm.s32 $0x4B00;
	v3 =	vperm.xlane v3, v2  }
0xc2: {  	[tilespmem:s13], [sflag:$0x1] =	stream.indirect_vreg.gather [hbm4b:s6+s3], $0x80, v4, vm0, $0xb8;
	[tilespmem:$0x14300] =	vst v63  }
0xc3: {  	s10 =	simm.s32 $0x5300;
	v3 =	vadd.s32 v1, v3  }
0xc4: {  	[tilespmem:s10], [sflag:$0x1] =	stream.indirect_vreg.gather [hbm4b:s7+s3], $0x80, v4, vm0, $0xb8;
	[tilespmem:$0x14300] =	vst v63  }
0xc5: {  	s11 =	simm.s32 $0x5B00  }
0xc6: {  	[tilespmem:s11], [sflag:$0x1] =	stream.indirect_vreg.gather [hbm4b:s8+s3], $0x80, v4, vm0, $0xb8;
	[tilespmem:$0x14300] =	vst v63  }
0xc7: {  	s12 =	simm.s32 $0x6300  }
0xc8: {  	[tilespmem:s12], [sflag:$0x1] =	stream.indirect_vreg.gather [hbm4b:s1+s3], $0x80, v3, vm0, $0xb8;
	[tilespmem:$0x14300] =	vst v63  }
0xc9: {  	s13 =	simm.s32 $0x6B00  }
0xca: {  	[tilespmem:s13], [sflag:$0x1] =	stream.indirect_vreg.gather [hbm4b:s6+s3], $0x80, v3, vm0, $0xb8;
	[tilespmem:$0x14300] =	vst v63  }
0xcb: {  	s14 =	simm.s32 $0x7300  }
0xcc: {  	[tilespmem:s14], [sflag:$0x1] =	stream.indirect_vreg.gather [hbm4b:s7+s3], $0x80, v3, vm0, $0xb8;
	[tilespmem:$0x14300] =	vst v63  }
0xcd: {  	s15 =	simm.s32 $0x7B00  }
0xce: {  	[tilespmem:s15], [sflag:$0x1] =	stream.indirect_vreg.gather [hbm4b:s8+s3], $0x80, v3, vm0, $0xb8;
	[tilespmem:$0x14300] =	vst v63  }
0xcf: {  	_ =	swait.ge [sflag:s29], $0x8000  }
0xd0: {  	[sflag:s29] =	ssyncset.done $0x0  }
0xd1: {  	s30 =	rddreg [dreg:$0x6];
	[sflag:s29] =	ssyncadd.s32 $0xFFFF8000  }
0xd2: {  	[hbm4b:s30+s3] =	stream.linear.scatter [tilespmem:s0], [sflag:$0x4], $0x8000, $0x38;
	[tilespmem:$0x14300] =	vst v63  }
0xd3: {  	_ =	swait.ge [sflag:s24], $0x8000  }
0xd4: {  	[sflag:s24] =	ssyncset.done $0x0  }
0xd5: {  	[sflag:s24] =	ssyncadd.s32 $0xFFFF8000  }
0xd6: {  	v3 =	vld [tilespmem:$0x1F0];
	_ =	sdelay $0x4  }
0xd7: {  	v54 =	vshll.u32 v3, $0x3  }
0xd8: {  	v3 =	vand.u32 $0x7, v3;
	v4 =	vand.u32 $0xFFFFFFC0, v54  }
0xd9: {  	v3 =	vor.u32 v3, v4  }
0xda: {  	v4 =	vperm.xlane v3, v0;
	_ =	sdelay $0x1  }
0xdb: {  	v4 =	vadd.s32 v1, v4;
	_ =	sdelay $0x4  }
0xdc: {  	[tilespmem:s0], [sflag:$0x2] =	stream.indirect_vreg.gather [hbm4b:s1+s3], $0x80, v4, vm0, $0xb8;
	[tilespmem:$0x14300] =	vst v63  }
0xdd: {  	s16 =	simm.s32 $0x8B00;
	v3 =	vperm.xlane v3, v2  }
0xde: {  	[tilespmem:s16], [sflag:$0x2] =	stream.indirect_vreg.gather [hbm4b:s6+s3], $0x80, v4, vm0, $0xb8;
	[tilespmem:$0x14300] =	vst v63  }
0xdf: {  	v3 =	vadd.s32 v1, v3;
	s16 =	simm.s32 $0x9300  }
0xe0: {  	[tilespmem:s16], [sflag:$0x2] =	stream.indirect_vreg.gather [hbm4b:s7+s3], $0x80, v4, vm0, $0xb8;
	[tilespmem:$0x14300] =	vst v63  }
0xe1: {  	s17 =	simm.s32 $0x9B00  }
0xe2: {  	[tilespmem:s17], [sflag:$0x2] =	stream.indirect_vreg.gather [hbm4b:s8+s3], $0x80, v4, vm0, $0xb8;
	[tilespmem:$0x14300] =	vst v63  }
0xe3: {  	s18 =	simm.s32 $0xA300  }
0xe4: {  	[tilespmem:s18], [sflag:$0x2] =	stream.indirect_vreg.gather [hbm4b:s1+s3], $0x80, v3, vm0, $0xb8;
	[tilespmem:$0x14300] =	vst v63  }
0xe5: {  	s17 =	simm.s32 $0xAB00  }
0xe6: {  	[tilespmem:s17], [sflag:$0x2] =	stream.indirect_vreg.gather [hbm4b:s6+s3], $0x80, v3, vm0, $0xb8;
	[tilespmem:$0x14300] =	vst v63  }
0xe7: {  	s18 =	simm.s32 $0xB300  }
0xe8: {  	[tilespmem:s18], [sflag:$0x2] =	stream.indirect_vreg.gather [hbm4b:s7+s3], $0x80, v3, vm0, $0xb8;
	[tilespmem:$0x14300] =	vst v63  }
0xe9: {  	s19 =	simm.s32 $0xBB00  }
0xea: {  	[tilespmem:s19], [sflag:$0x2] =	stream.indirect_vreg.gather [hbm4b:s8+s3], $0x80, v3, vm0, $0xb8;
	[tilespmem:$0x14300] =	vst v63  }
0xeb: {  	v3 =	vld [tilespmem:$0x200];
	_ =	sdelay $0x4  }
0xec: {  	v55 =	vshll.u32 v3, $0x3  }
0xed: {  	v3 =	vand.u32 $0x7, v3;
	v4 =	vand.u32 $0xFFFFFFC0, v55  }
0xee: {  	v3 =	vor.u32 v3, v4  }
0xef: {  	v4 =	vperm.xlane v3, v0;
	_ =	sdelay $0x1  }
0xf0: {  	v4 =	vadd.s32 v1, v4;
	_ =	sdelay $0x3  }
0xf1: {  	s20 =	simm.s32 $0xC300  }
0xf2: {  	[tilespmem:s20], [sflag:$0x2] =	stream.indirect_vreg.gather [hbm4b:s1+s3], $0x80, v4, vm0, $0xb8;
	[tilespmem:$0x14300] =	vst v63  }
0xf3: {  	s22 =	simm.s32 $0xCB00;
	v3 =	vperm.xlane v3, v2  }
0xf4: {  	[tilespmem:s22], [sflag:$0x2] =	stream.indirect_vreg.gather [hbm4b:s6+s3], $0x80, v4, vm0, $0xb8;
	[tilespmem:$0x14300] =	vst v63  }
0xf5: {  	s19 =	simm.s32 $0xD300;
	v3 =	vadd.s32 v1, v3  }
0xf6: {  	[tilespmem:s19], [sflag:$0x2] =	stream.indirect_vreg.gather [hbm4b:s7+s3], $0x80, v4, vm0, $0xb8;
	[tilespmem:$0x14300] =	vst v63  }
0xf7: {  	s20 =	simm.s32 $0xDB00  }
0xf8: {  	[tilespmem:s20], [sflag:$0x2] =	stream.indirect_vreg.gather [hbm4b:s8+s3], $0x80, v4, vm0, $0xb8;
	[tilespmem:$0x14300] =	vst v63  }
0xf9: {  	s22 =	simm.s32 $0xE300  }
0xfa: {  	[tilespmem:s22], [sflag:$0x2] =	stream.indirect_vreg.gather [hbm4b:s1+s3], $0x80, v3, vm0, $0xb8;
	[tilespmem:$0x14300] =	vst v63  }
0xfb: {  	s28 =	simm.s32 $0xEB00  }
0xfc: {  	[tilespmem:s28], [sflag:$0x2] =	stream.indirect_vreg.gather [hbm4b:s6+s3], $0x80, v3, vm0, $0xb8;
	[tilespmem:$0x14300] =	vst v63  }
0xfd: {  	s30 =	simm.s32 $0xF300  }
0xfe: {  	[tilespmem:s30], [sflag:$0x2] =	stream.indirect_vreg.gather [hbm4b:s7+s3], $0x80, v3, vm0, $0xb8;
	[tilespmem:$0x14300] =	vst v63  }
0xff: {  	s26 =	simm.s32 $0xFB00  }
0x100: {  	[tilespmem:s26], [sflag:$0x2] =	stream.indirect_vreg.gather [hbm4b:s8+s3], $0x80, v3, vm0, $0xb8;
	[tilespmem:$0x14300] =	vst v63  }
0x101: {  	_ =	swait.ge [sflag:s5], $0x8000  }
0x102: {  	[sflag:s5] =	ssyncset.done $0x0  }
0x103: {  	s26 =	rddreg [dreg:$0x7];
	[sflag:s5] =	ssyncadd.s32 $0xFFFF8000  }
0x104: {  	[hbm4b:s26+s3] =	stream.linear.scatter [tilespmem:s31], [sflag:$0x3], $0x8000, $0x38;
	[tilespmem:$0x14300] =	vst v63  }
0x105: {  	_ =	swait.ge [sflag:s23], $0x8000  }
0x106: {  	[sflag:s23] =	ssyncset.done $0x0  }
0x107: {  	[sflag:s23] =	ssyncadd.s32 $0xFFFF8000  }
0x108: {  	v3 =	vld [tilespmem:$0x210];
	_ =	sdelay $0x4  }
0x109: {  	v56 =	vshll.u32 v3, $0x3  }
0x10a: {  	v3 =	vand.u32 $0x7, v3;
	v4 =	vand.u32 $0xFFFFFFC0, v56  }
0x10b: {  	v3 =	vor.u32 v3, v4  }
0x10c: {  	v4 =	vperm.xlane v3, v0;
	_ =	sdelay $0x1  }
0x10d: {  	v4 =	vadd.s32 v1, v4;
	_ =	sdelay $0x4  }
0x10e: {  	[tilespmem:s31], [sflag:$0x1] =	stream.indirect_vreg.gather [hbm4b:s1+s3], $0x80, v4, vm0, $0xb8;
	[tilespmem:$0x14300] =	vst v63  }
0x10f: {  	s26 =	simm.s32 $0xB00;
	v3 =	vperm.xlane v3, v2  }
0x110: {  	[tilespmem:s26], [sflag:$0x1] =	stream.indirect_vreg.gather [hbm4b:s6+s3], $0x80, v4, vm0, $0xb8;
	[tilespmem:$0x14300] =	vst v63  }
0x111: {  	v3 =	vadd.s32 v1, v3;
	s26 =	simm.s32 $0x1300  }
0x112: {  	[tilespmem:s26], [sflag:$0x1] =	stream.indirect_vreg.gather [hbm4b:s7+s3], $0x80, v4, vm0, $0xb8;
	[tilespmem:$0x14300] =	vst v63  }
0x113: {  	s26 =	simm.s32 $0x1B00  }
0x114: {  	[tilespmem:s26], [sflag:$0x1] =	stream.indirect_vreg.gather [hbm4b:s8+s3], $0x80, v4, vm0, $0xb8;
	[tilespmem:$0x14300] =	vst v63  }
0x115: {  	_ = 	snop  }
0x116: {  	[tilespmem:s21], [sflag:$0x1] =	stream.indirect_vreg.gather [hbm4b:s1+s3], $0x80, v3, vm0, $0xb8;
	[tilespmem:$0x14300] =	vst v63  }
0x117: {  	_ = 	snop  }
0x118: {  	[tilespmem:s2], [sflag:$0x1] =	stream.indirect_vreg.gather [hbm4b:s6+s3], $0x80, v3, vm0, $0xb8;
	[tilespmem:$0x14300] =	vst v63  }
0x119: {  	_ = 	snop  }
0x11a: {  	[tilespmem:s4], [sflag:$0x1] =	stream.indirect_vreg.gather [hbm4b:s7+s3], $0x80, v3, vm0, $0xb8;
	[tilespmem:$0x14300] =	vst v63  }
0x11b: {  	s26 =	simm.s32 $0x3B00  }
0x11c: {  	[tilespmem:s26], [sflag:$0x1] =	stream.indirect_vreg.gather [hbm4b:s8+s3], $0x80, v3, vm0, $0xb8;
	[tilespmem:$0x14300] =	vst v63  }
0x11d: {  	v3 =	vld [tilespmem:$0x220];
	_ =	sdelay $0x4  }
0x11e: {  	v57 =	vshll.u32 v3, $0x3  }
0x11f: {  	v3 =	vand.u32 $0x7, v3;
	v4 =	vand.u32 $0xFFFFFFC0, v57  }
0x120: {  	v3 =	vor.u32 v3, v4  }
0x121: {  	v4 =	vperm.xlane v3, v0;
	_ =	sdelay $0x1  }
0x122: {  	v4 =	vadd.s32 v1, v4;
	_ =	sdelay $0x3  }
0x123: {  	s4 =	simm.s32 $0x4300  }
0x124: {  	[tilespmem:s4], [sflag:$0x1] =	stream.indirect_vreg.gather [hbm4b:s1+s3], $0x80, v4, vm0, $0xb8;
	[tilespmem:$0x14300] =	vst v63  }
0x125: {  	s26 =	simm.s32 $0x4B00;
	v3 =	vperm.xlane v3, v2  }
0x126: {  	[tilespmem:s26], [sflag:$0x1] =	stream.indirect_vreg.gather [hbm4b:s6+s3], $0x80, v4, vm0, $0xb8;
	[tilespmem:$0x14300] =	vst v63  }
0x127: {  	v3 =	vadd.s32 v1, v3  }
0x128: {  	[tilespmem:s10], [sflag:$0x1] =	stream.indirect_vreg.gather [hbm4b:s7+s3], $0x80, v4, vm0, $0xb8;
	[tilespmem:$0x14300] =	vst v63  }
0x129: {  	_ = 	snop  }
0x12a: {  	[tilespmem:s11], [sflag:$0x1] =	stream.indirect_vreg.gather [hbm4b:s8+s3], $0x80, v4, vm0, $0xb8;
	[tilespmem:$0x14300] =	vst v63  }
0x12b: {  	_ = 	snop  }
0x12c: {  	[tilespmem:s12], [sflag:$0x1] =	stream.indirect_vreg.gather [hbm4b:s1+s3], $0x80, v3, vm0, $0xb8;
	[tilespmem:$0x14300] =	vst v63  }
0x12d: {  	_ = 	snop  }
0x12e: {  	[tilespmem:s13], [sflag:$0x1] =	stream.indirect_vreg.gather [hbm4b:s6+s3], $0x80, v3, vm0, $0xb8;
	[tilespmem:$0x14300] =	vst v63  }
0x12f: {  	_ = 	snop  }
0x130: {  	[tilespmem:s14], [sflag:$0x1] =	stream.indirect_vreg.gather [hbm4b:s7+s3], $0x80, v3, vm0, $0xb8;
	[tilespmem:$0x14300] =	vst v63  }
0x131: {  	_ = 	snop  }
0x132: {  	[tilespmem:s15], [sflag:$0x1] =	stream.indirect_vreg.gather [hbm4b:s8+s3], $0x80, v3, vm0, $0xb8;
	[tilespmem:$0x14300] =	vst v63  }
0x133: {  	_ =	swait.ge [sflag:s29], $0x8000  }
0x134: {  	[sflag:s29] =	ssyncset.done $0x0  }
0x135: {  	s2 =	rddreg [dreg:$0x8];
	[sflag:s29] =	ssyncadd.s32 $0xFFFF8000  }
0x136: {  	[hbm4b:s2+s3] =	stream.linear.scatter [tilespmem:s0], [sflag:$0x4], $0x8000, $0x38;
	[tilespmem:$0x14300] =	vst v63  }
0x137: {  	_ =	swait.ge [sflag:s23], $0x50  }
0x138: {  	[sflag:s23] =	ssyncset.done $0x0  }
0x139: {  	[sflag:s23] =	ssyncadd.s32 $0xFFFFFFB0  }
0x13a: {  	_ =	swait.ge [sflag:s24], $0x8000  }
0x13b: {  	[sflag:s24] =	ssyncset.done $0x0  }
0x13c: {  	[sflag:s24] =	ssyncadd.s32 $0xFFFF8000  }
0x13d: {  	v3 =	vld [tilespmem:$0x230];
	_ =	sdelay $0x4  }
0x13e: {  	v58 =	vshll.u32 v3, $0x3  }
0x13f: {  	v3 =	vand.u32 $0x7, v3;
	v4 =	vand.u32 $0xFFFFFFC0, v58  }
0x140: {  	v3 =	vor.u32 v3, v4  }
0x141: {  	v4 =	vperm.xlane v3, v0;
	_ =	sdelay $0x1  }
0x142: {  	v4 =	vadd.s32 v1, v4;
	_ =	sdelay $0x4  }
0x143: {  	[tilespmem:s0], [sflag:$0x2] =	stream.indirect_vreg.gather [hbm4b:s1+s3], $0x80, v4, vm0, $0xb8;
	[tilespmem:$0x14300] =	vst v63  }
0x144: {  	s4 =	simm.s32 $0x8B00;
	v3 =	vperm.xlane v3, v2  }
0x145: {  	[tilespmem:s4], [sflag:$0x2] =	stream.indirect_vreg.gather [hbm4b:s6+s3], $0x80, v4, vm0, $0xb8;
	[tilespmem:$0x14300] =	vst v63  }
0x146: {  	v3 =	vadd.s32 v1, v3  }
0x147: {  	[tilespmem:s16], [sflag:$0x2] =	stream.indirect_vreg.gather [hbm4b:s7+s3], $0x80, v4, vm0, $0xb8;
	[tilespmem:$0x14300] =	vst v63  }
0x148: {  	s10 =	simm.s32 $0x9B00  }
0x149: {  	[tilespmem:s10], [sflag:$0x2] =	stream.indirect_vreg.gather [hbm4b:s8+s3], $0x80, v4, vm0, $0xb8;
	[tilespmem:$0x14300] =	vst v63  }
0x14a: {  	s11 =	simm.s32 $0xA300  }
0x14b: {  	[tilespmem:s11], [sflag:$0x2] =	stream.indirect_vreg.gather [hbm4b:s1+s3], $0x80, v3, vm0, $0xb8;
	[tilespmem:$0x14300] =	vst v63  }
0x14c: {  	_ = 	snop  }
0x14d: {  	[tilespmem:s17], [sflag:$0x2] =	stream.indirect_vreg.gather [hbm4b:s6+s3], $0x80, v3, vm0, $0xb8;
	[tilespmem:$0x14300] =	vst v63  }
0x14e: {  	_ = 	snop  }
0x14f: {  	[tilespmem:s18], [sflag:$0x2] =	stream.indirect_vreg.gather [hbm4b:s7+s3], $0x80, v3, vm0, $0xb8;
	[tilespmem:$0x14300] =	vst v63  }
0x150: {  	s2 =	simm.s32 $0xBB00  }
0x151: {  	[tilespmem:s2], [sflag:$0x2] =	stream.indirect_vreg.gather [hbm4b:s8+s3], $0x80, v3, vm0, $0xb8;
	[tilespmem:$0x14300] =	vst v63  }
0x152: {  	v3 =	vld [tilespmem:$0x240];
	_ =	sdelay $0x4  }
0x153: {  	v59 =	vshll.u32 v3, $0x3  }
0x154: {  	v3 =	vand.u32 $0x7, v3;
	v4 =	vand.u32 $0xFFFFFFC0, v59  }
0x155: {  	v3 =	vor.u32 v3, v4  }
0x156: {  	v4 =	vperm.xlane v3, v0;
	_ =	sdelay $0x1  }
0x157: {  	v4 =	vadd.s32 v1, v4;
	_ =	sdelay $0x3  }
0x158: {  	s12 =	simm.s32 $0xC300  }
0x159: {  	[tilespmem:s12], [sflag:$0x2] =	stream.indirect_vreg.gather [hbm4b:s1+s3], $0x80, v4, vm0, $0xb8;
	[tilespmem:$0x14300] =	vst v63  }
0x15a: {  	s10 =	simm.s32 $0xCB00;
	v3 =	vperm.xlane v3, v2  }
0x15b: {  	[tilespmem:s10], [sflag:$0x2] =	stream.indirect_vreg.gather [hbm4b:s6+s3], $0x80, v4, vm0, $0xb8;
	[tilespmem:$0x14300] =	vst v63  }
0x15c: {  	v3 =	vadd.s32 v1, v3  }
0x15d: {  	[tilespmem:s19], [sflag:$0x2] =	stream.indirect_vreg.gather [hbm4b:s7+s3], $0x80, v4, vm0, $0xb8;
	[tilespmem:$0x14300] =	vst v63  }
0x15e: {  	_ = 	snop  }
0x15f: {  	[tilespmem:s20], [sflag:$0x2] =	stream.indirect_vreg.gather [hbm4b:s8+s3], $0x80, v4, vm0, $0xb8;
	[tilespmem:$0x14300] =	vst v63  }
0x160: {  	_ = 	snop  }
0x161: {  	[tilespmem:s22], [sflag:$0x2] =	stream.indirect_vreg.gather [hbm4b:s1+s3], $0x80, v3, vm0, $0xb8;
	[tilespmem:$0x14300] =	vst v63  }
0x162: {  	_ = 	snop  }
0x163: {  	[tilespmem:s28], [sflag:$0x2] =	stream.indirect_vreg.gather [hbm4b:s6+s3], $0x80, v3, vm0, $0xb8;
	[tilespmem:$0x14300] =	vst v63  }
0x164: {  	_ = 	snop  }
0x165: {  	[tilespmem:s30], [sflag:$0x2] =	stream.indirect_vreg.gather [hbm4b:s7+s3], $0x80, v3, vm0, $0xb8;
	[tilespmem:$0x14300] =	vst v63  }
0x166: {  	s4 =	simm.s32 $0xFB00  }
0x167: {  	[tilespmem:s4], [sflag:$0x2] =	stream.indirect_vreg.gather [hbm4b:s8+s3], $0x80, v3, vm0, $0xb8;
	[tilespmem:$0x14300] =	vst v63  }
0x168: {  	_ =	swait.ge [sflag:s5], $0x8000  }
0x169: {  	[sflag:s5] =	ssyncset.done $0x0  }
0x16a: {  	s26 =	rddreg [dreg:$0x9];
	[sflag:s5] =	ssyncadd.s32 $0xFFFF8000  }
0x16b: {  	[hbm4b:s26+s3] =	stream.linear.scatter [tilespmem:s31], [sflag:$0x3], $0x8000, $0x38;
	[tilespmem:$0x14300] =	vst v63  }
0x16c: {  	_ =	swait.ge [sflag:s23], $0x8000  }
0x16d: {  	[sflag:s23] =	ssyncset.done $0x0  }
0x16e: {  	[sflag:s23] =	ssyncadd.s32 $0xFFFF8000  }
0x16f: {  	v3 =	vld [tilespmem:$0x250];
	_ =	sdelay $0x4  }
0x170: {  	v60 =	vshll.u32 v3, $0x3  }
0x171: {  	v3 =	vand.u32 $0x7, v3;
	v4 =	vand.u32 $0xFFFFFFC0, v60  }
0x172: {  	v3 =	vor.u32 v3, v4  }
0x173: {  	v4 =	vperm.xlane v3, v0;
	_ =	sdelay $0x1  }
0x174: {  	v4 =	vadd.s32 v1, v4;
	_ =	sdelay $0x4  }
0x175: {  	[tilespmem:s31], [sflag:$0x1] =	stream.indirect_vreg.gather [hbm4b:s1+s3], $0x80, v4, vm0, $0xb8;
	[tilespmem:$0x14300] =	vst v63  }
0x176: {  	s26 =	simm.s32 $0xB00;
	v3 =	vperm.xlane v3, v2  }
0x177: {  	[tilespmem:s26], [sflag:$0x1] =	stream.indirect_vreg.gather [hbm4b:s6+s3], $0x80, v4, vm0, $0xb8;
	[tilespmem:$0x14300] =	vst v63  }
0x178: {  	v3 =	vadd.s32 v1, v3;
	s26 =	simm.s32 $0x1300  }
0x179: {  	[tilespmem:s26], [sflag:$0x1] =	stream.indirect_vreg.gather [hbm4b:s7+s3], $0x80, v4, vm0, $0xb8;
	[tilespmem:$0x14300] =	vst v63  }
0x17a: {  	s26 =	simm.s32 $0x1B00  }
0x17b: {  	[tilespmem:s26], [sflag:$0x1] =	stream.indirect_vreg.gather [hbm4b:s8+s3], $0x80, v4, vm0, $0xb8;
	[tilespmem:$0x14300] =	vst v63  }
0x17c: {  	s21 =	simm.s32 $0x2300  }
0x17d: {  	[tilespmem:s21], [sflag:$0x1] =	stream.indirect_vreg.gather [hbm4b:s1+s3], $0x80, v3, vm0, $0xb8;
	[tilespmem:$0x14300] =	vst v63  }
0x17e: {  	s26 =	simm.s32 $0x2B00  }
0x17f: {  	[tilespmem:s26], [sflag:$0x1] =	stream.indirect_vreg.gather [hbm4b:s6+s3], $0x80, v3, vm0, $0xb8;
	[tilespmem:$0x14300] =	vst v63  }
0x180: {  	s26 =	simm.s32 $0x3300  }
0x181: {  	[tilespmem:s26], [sflag:$0x1] =	stream.indirect_vreg.gather [hbm4b:s7+s3], $0x80, v3, vm0, $0xb8;
	[tilespmem:$0x14300] =	vst v63  }
0x182: {  	s26 =	simm.s32 $0x3B00  }
0x183: {  	[tilespmem:s26], [sflag:$0x1] =	stream.indirect_vreg.gather [hbm4b:s8+s3], $0x80, v3, vm0, $0xb8;
	[tilespmem:$0x14300] =	vst v63  }
0x184: {  	v3 =	vld [tilespmem:$0x260];
	_ =	sdelay $0x4  }
0x185: {  	v61 =	vshll.u32 v3, $0x3  }
0x186: {  	v3 =	vand.u32 $0x7, v3;
	v4 =	vand.u32 $0xFFFFFFC0, v61  }
0x187: {  	v3 =	vor.u32 v3, v4  }
0x188: {  	v4 =	vperm.xlane v3, v0;
	_ =	sdelay $0x1  }
0x189: {  	v4 =	vadd.s32 v1, v4;
	_ =	sdelay $0x3  }
0x18a: {  	s26 =	simm.s32 $0x4300  }
0x18b: {  	[tilespmem:s26], [sflag:$0x1] =	stream.indirect_vreg.gather [hbm4b:s1+s3], $0x80, v4, vm0, $0xb8;
	[tilespmem:$0x14300] =	vst v63  }
0x18c: {  	v3 =	vperm.xlane v3, v2;
	s26 =	simm.s32 $0x4B00  }
0x18d: {  	[tilespmem:s26], [sflag:$0x1] =	stream.indirect_vreg.gather [hbm4b:s6+s3], $0x80, v4, vm0, $0xb8;
	[tilespmem:$0x14300] =	vst v63  }
0x18e: {  	v3 =	vadd.s32 v1, v3;
	s26 =	simm.s32 $0x5300  }
0x18f: {  	[tilespmem:s26], [sflag:$0x1] =	stream.indirect_vreg.gather [hbm4b:s7+s3], $0x80, v4, vm0, $0xb8;
	[tilespmem:$0x14300] =	vst v63  }
0x190: {  	s26 =	simm.s32 $0x5B00  }
0x191: {  	[tilespmem:s26], [sflag:$0x1] =	stream.indirect_vreg.gather [hbm4b:s8+s3], $0x80, v4, vm0, $0xb8;
	[tilespmem:$0x14300] =	vst v63  }
0x192: {  	s26 =	simm.s32 $0x6300  }
0x193: {  	[tilespmem:s26], [sflag:$0x1] =	stream.indirect_vreg.gather [hbm4b:s1+s3], $0x80, v3, vm0, $0xb8;
	[tilespmem:$0x14300] =	vst v63  }
0x194: {  	s26 =	simm.s32 $0x6B00  }
0x195: {  	[tilespmem:s26], [sflag:$0x1] =	stream.indirect_vreg.gather [hbm4b:s6+s3], $0x80, v3, vm0, $0xb8;
	[tilespmem:$0x14300] =	vst v63  }
0x196: {  	s26 =	simm.s32 $0x7300  }
0x197: {  	[tilespmem:s26], [sflag:$0x1] =	stream.indirect_vreg.gather [hbm4b:s7+s3], $0x80, v3, vm0, $0xb8;
	[tilespmem:$0x14300] =	vst v63  }
0x198: {  	s15 =	simm.s32 $0x7B00  }
0x199: {  	[tilespmem:s15], [sflag:$0x1] =	stream.indirect_vreg.gather [hbm4b:s8+s3], $0x80, v3, vm0, $0xb8;
	[tilespmem:$0x14300] =	vst v63  }
0x19a: {  	_ =	swait.ge [sflag:s29], $0x8000  }
0x19b: {  	[sflag:s29] =	ssyncset.done $0x0  }
0x19c: {  	s21 =	rddreg [dreg:$0xa];
	[sflag:s29] =	ssyncadd.s32 $0xFFFF8000  }
0x19d: {  	[hbm4b:s21+s3] =	stream.linear.scatter [tilespmem:s0], [sflag:$0x4], $0x8000, $0x38;
	[tilespmem:$0x14300] =	vst v63  }
0x19e: {  	_ =	swait.ge [sflag:s24], $0x8000  }
0x19f: {  	[sflag:s24] =	ssyncset.done $0x0  }
0x1a0: {  	[sflag:s24] =	ssyncadd.s32 $0xFFFF8000  }
0x1a1: {  	v3 =	vld [tilespmem:$0x270];
	_ =	sdelay $0x4  }
0x1a2: {  	v62 =	vshll.u32 v3, $0x3  }
0x1a3: {  	v3 =	vand.u32 $0x7, v3;
	v4 =	vand.u32 $0xFFFFFFC0, v62  }
0x1a4: {  	v3 =	vor.u32 v3, v4  }
0x1a5: {  	v4 =	vperm.xlane v3, v0;
	_ =	sdelay $0x1  }
0x1a6: {  	v4 =	vadd.s32 v1, v4;
	_ =	sdelay $0x4  }
0x1a7: {  	[tilespmem:s0], [sflag:$0x2] =	stream.indirect_vreg.gather [hbm4b:s1+s3], $0x80, v4, vm0, $0xb8;
	[tilespmem:$0x14300] =	vst v63  }
0x1a8: {  	s13 =	simm.s32 $0x8B00;
	v3 =	vperm.xlane v3, v2  }
0x1a9: {  	[tilespmem:s13], [sflag:$0x2] =	stream.indirect_vreg.gather [hbm4b:s6+s3], $0x80, v4, vm0, $0xb8;
	[tilespmem:$0x14300] =	vst v63  }
0x1aa: {  	s16 =	simm.s32 $0x9300;
	v3 =	vadd.s32 v1, v3  }
0x1ab: {  	[tilespmem:s16], [sflag:$0x2] =	stream.indirect_vreg.gather [hbm4b:s7+s3], $0x80, v4, vm0, $0xb8;
	[tilespmem:$0x14300] =	vst v63  }
0x1ac: {  	s14 =	simm.s32 $0x9B00  }
0x1ad: {  	[tilespmem:s14], [sflag:$0x2] =	stream.indirect_vreg.gather [hbm4b:s8+s3], $0x80, v4, vm0, $0xb8;
	[tilespmem:$0x14300] =	vst v63  }
0x1ae: {  	s11 =	simm.s32 $0xA300  }
0x1af: {  	[tilespmem:s11], [sflag:$0x2] =	stream.indirect_vreg.gather [hbm4b:s1+s3], $0x80, v3, vm0, $0xb8;
	[tilespmem:$0x14300] =	vst v63  }
0x1b0: {  	s17 =	simm.s32 $0xAB00  }
0x1b1: {  	[tilespmem:s17], [sflag:$0x2] =	stream.indirect_vreg.gather [hbm4b:s6+s3], $0x80, v3, vm0, $0xb8;
	[tilespmem:$0x14300] =	vst v63  }
0x1b2: {  	s18 =	simm.s32 $0xB300  }
0x1b3: {  	[tilespmem:s18], [sflag:$0x2] =	stream.indirect_vreg.gather [hbm4b:s7+s3], $0x80, v3, vm0, $0xb8;
	[tilespmem:$0x14300] =	vst v63  }
0x1b4: {  	_ = 	snop  }
0x1b5: {  	[tilespmem:s2], [sflag:$0x2] =	stream.indirect_vreg.gather [hbm4b:s8+s3], $0x80, v3, vm0, $0xb8;
	[tilespmem:$0x14300] =	vst v63  }
0x1b6: {  	v3 =	vld [tilespmem:$0x280];
	_ =	sdelay $0x4  }
0x1b7: {  	v63 =	vshll.u32 v3, $0x3  }
0x1b8: {  	v3 =	vand.u32 $0x7, v3;
	v4 =	vand.u32 $0xFFFFFFC0, v63  }
0x1b9: {  	v3 =	vor.u32 v3, v4  }
0x1ba: {  	v4 =	vperm.xlane v3, v0;
	_ =	sdelay $0x1  }
0x1bb: {  	v4 =	vadd.s32 v1, v4;
	_ =	sdelay $0x3  }
0x1bc: {  	s12 =	simm.s32 $0xC300  }
0x1bd: {  	[tilespmem:s12], [sflag:$0x2] =	stream.indirect_vreg.gather [hbm4b:s1+s3], $0x80, v4, vm0, $0xb8;
	[tilespmem:$0x14300] =	vst v63  }
0x1be: {  	v3 =	vperm.xlane v3, v2  }
0x1bf: {  	[tilespmem:s10], [sflag:$0x2] =	stream.indirect_vreg.gather [hbm4b:s6+s3], $0x80, v4, vm0, $0xb8;
	[tilespmem:$0x14300] =	vst v63  }
0x1c0: {  	s19 =	simm.s32 $0xD300;
	v3 =	vadd.s32 v1, v3  }
0x1c1: {  	[tilespmem:s19], [sflag:$0x2] =	stream.indirect_vreg.gather [hbm4b:s7+s3], $0x80, v4, vm0, $0xb8;
	[tilespmem:$0x14300] =	vst v63  }
0x1c2: {  	s20 =	simm.s32 $0xDB00  }
0x1c3: {  	[tilespmem:s20], [sflag:$0x2] =	stream.indirect_vreg.gather [hbm4b:s8+s3], $0x80, v4, vm0, $0xb8;
	[tilespmem:$0x14300] =	vst v63  }
0x1c4: {  	s22 =	simm.s32 $0xE300  }
0x1c5: {  	[tilespmem:s22], [sflag:$0x2] =	stream.indirect_vreg.gather [hbm4b:s1+s3], $0x80, v3, vm0, $0xb8;
	[tilespmem:$0x14300] =	vst v63  }
0x1c6: {  	s28 =	simm.s32 $0xEB00  }
0x1c7: {  	[tilespmem:s28], [sflag:$0x2] =	stream.indirect_vreg.gather [hbm4b:s6+s3], $0x80, v3, vm0, $0xb8;
	[tilespmem:$0x14300] =	vst v63  }
0x1c8: {  	s30 =	simm.s32 $0xF300  }
0x1c9: {  	[tilespmem:s30], [sflag:$0x2] =	stream.indirect_vreg.gather [hbm4b:s7+s3], $0x80, v3, vm0, $0xb8;
	[tilespmem:$0x14300] =	vst v63  }
0x1ca: {  	_ = 	snop  }
0x1cb: {  	[tilespmem:s4], [sflag:$0x2] =	stream.indirect_vreg.gather [hbm4b:s8+s3], $0x80, v3, vm0, $0xb8;
	[tilespmem:$0x14300] =	vst v63  }
0x1cc: {  	_ =	swait.ge [sflag:s5], $0x8000  }
0x1cd: {  	[sflag:s5] =	ssyncset.done $0x0  }
0x1ce: {  	s30 =	rddreg [dreg:$0xb];
	[sflag:s5] =	ssyncadd.s32 $0xFFFF8000  }
0x1cf: {  	[hbm4b:s30+s3] =	stream.linear.scatter [tilespmem:s31], [sflag:$0x3], $0x8000, $0x38;
	[tilespmem:$0x14300] =	vst v63  }
0x1d0: {  	_ =	swait.ge [sflag:s29], $0x8000  }
0x1d1: {  	[sflag:s29] =	ssyncset.done $0x0  }
0x1d2: {  	s26 =	simm.s32 @!p0 $0x5;
	s31 =	rddreg [dreg:$0xc];
	[sflag:s29] =	ssyncadd.s32 $0xFFFF8000  }
0x1d3: {  	[hbm4b:s31+s3] =	stream.linear.scatter [tilespmem:s0], [sflag:$0x4], $0x8000, $0x38;
	[tilespmem:$0x14300] =	vst v63  }
0x1d4: {  	_ =	swait.ge @!p0 [sflag:s26], $0x4000  }
0x1d5: {  	[sflag:s26] =	ssyncset.done @!p0 $0x0  }
0x1d6: {  	s0 =	simm.s32 @!p0 $0x10300;
	s28 =	rddreg [dreg:$0xd];
	[sflag:s26] =	ssyncadd.s32 @!p0 $0xFFFFC000  }
0x1d7: {  	[hbm4b:s28+s25] =	stream.linear.scatter @!p0 [tilespmem:s0], [sflag:$0x6], $0x4000, $0x38;
	[tilespmem:$0x14300] =	vst v63  }
0x1d8: {  	s25 =	simm.s32 @!p0 $0x6  }
0x1d9: {  	_ =	swait.ge @!p0 [sflag:s25], $0x4000  }
0x1da: {  	[sflag:s25] =	ssyncset.done @!p0 $0x0  }
0x1db: {  	s9 =	sadd.s32 $0xFFFFFFFF, s9;
	[sflag:s25] =	ssyncadd.s32 @!p0 $0xFFFFC000  }
0x1dc: {  	p1 =	sne.s32 s9, $0x0;
	_ =	swait.ge [sflag:s23], $0x8000  }
.Ltmp0:
0x1dd: {  	[sflag:s23] =	ssyncset.done $0x0;
	(pc) =	sbr.rel @p1 .LBB2_1-.Ltmp0, $4  }
0x1de: {  	[sflag:s23] =	ssyncadd.s32 $0xFFFF8000  }
0x1df: {  	_ =	swait.ge [sflag:s24], $0x8000  }
0x1e0: {  	[sflag:s24] =	ssyncset.done $0x0  }
0x1e1: {  	[sflag:s24] =	ssyncadd.s32 $0xFFFF8000  }
0x1e2: {  	_ =	sfence.sel $0x180000  }
0x1e3: {  	[bflag:$0x0] =	sbarrier.arrive $0xFFFF  }
0x1e4: {  	_ =	strace $0x90000047  }
0x1e5: {  	s0 =	stileid.u32;
	[bflag:$0x2] =	sbarrier.arrive $0xFFFF  }
0x1e6: {  	p0 =	sne.s32 s0, $0x0;
	s0 =	rddreg [dreg:$0x3]  }
0x1e7: {  	s0 =	sadd.s32 @!p0 $0x100000, s0  }
0x1e8: {  	[sflag:s0] =	ssyncadd.tile.s32 @!p0 $0x1;
	_ =	shalt  }
.Lfunc_end2:
_tile_overlayer_lowered:
.L_overlay_start_2:
0x1e9: {  	(tag) =	ssettag $0x2  }
0x1ea: {  	s0 =	rddreg [dreg:$0x0];
	s2 =	stileid.u32  }
0x1eb: {  	s1 =	rddreg [dreg:$0x1];
	p0 =	sne.s32 s2, $0x0  }
0x1ec: {  	s3 =	rddreg [dreg:$0x2];
	[bflag:$0x3] =	sbarrier.arrive $0xFFFF;
	s2 =	simm.s32 @!p0 $0x1C06  }
0x1ed: {  	[timem:s3], [sflag:s2] =	dma.local @!p0 [hbm:s0], s1  }
0x1ee: {  	s0 =	simm.s32 @!p0 $0x6  }
0x1ef: {  	_ =	swait.ge @!p0 [sflag:s0], s1  }
0x1f0: {  	s1 =	ssub.s32 @!p0 $0x0, s1;
	[sflag:s0] =	ssyncset.done @!p0 $0x0  }
0x1f1: {  	[sflag:s0] =	ssyncadd.s32 @!p0 s1  }
0x1f2: {  	[bflag:$0x3] =	sbarrier.arrive $0xFFFF  }
0x1f3: {  	_ =	shalt  }

// kernel: sparse-core-data-format-call.cloned.1.call-start
scs
called_computation_lowered:
.L_overlay_start_0:
0x0: {  	s2 =	sld [smem:$0x3FD9]  }
0x1: {  	s3 =	sld [smem:$0x3FFE];
	_ =	sdelay $0x1  }
0x2: {  	s1 =	srdreg.scid  }
0x3: {  	s0 =	sand.u32 $0x1, s1  }
0x4: {  	s18 =	sshll.u32 s0, $0xA;
	s2 =	sadd.s32 s3, s2  }
0x5: {  	s2 =	sadd.s32 s2, s18  }
0x6: {  	[smem:$0x3FC0] =	sst s2  }
0x7: {  	_ = 	snop  }
0x8: {  	s2 =	sld [smem:$0x3FD0];
	(tm) =	ssettm $0x1  }
0x9: {  	s19 =	sld [smem:$0x3FFB];
	_ =	sdelay $0x3  }
0xa: {  	_ =	strace s19  }
0xb: {  	s3 =	sld [smem:$0x3FFC];
	_ =	sdelay $0x3  }
0xc: {  	_ =	strace s3  }
0xd: {  	s3 =	sld [smem:$0x3FFD];
	_ =	sdelay $0x3  }
0xe: {  	_ =	strace s3  }
0xf: {  	_ =	strace $0x8FFFFFFF  }
0x10: {  	s20 =	sld [smem:$0x3FDB];
	_ =	sdelay $0x1  }
0x11: {  	s4 =	simm.s32 $_scs_section_size  }
0x12: {  	s5 =	simm.s32 $_size__tile_overlayer_lowered;
	s6 =	simm.s32 $_tile_overlayer_lowered  }
0x13: {  	s23 =	simm.s32 $0x1BFF;
	s22 =	sshll.u32 s6, $0x1;
	s3 =	sadd.s32 s4, s20  }
0x14: {  	s7 =	simm.s32 $0x0;
	s21 =	sshll.u32 s5, $0x1;
	s5 =	sadd.s32 s22, s3  }
0x15: {  	[timem:s7], [sflag:s23] =	dma.local [hbm:s5], s21  }
0x16: {  	_ =	swait.ge [sflag:s23], s21  }
0x17: {  	s4 =	ssub.s32 $0x0, s21;
	[sflag:s23] =	ssyncset.done $0x0  }
0x18: {  	[sflag:s23] =	ssyncadd.s32 s4;
	_ =	sdelay $0x1  }
0x19: {  	s24 =	simm.s32 $0x1B8B  }
0x1a: {  	_ =	swait.ge [sflag:s24], $0x1  }
0x1b: {  	[sflag:s24] =	ssyncset.done $0x0  }
0x1c: {  	s26 =	simm.s32 $0x1B8E;
	s25 =	sld [smem:$0x3FFE];
	[sflag:s24] =	ssyncadd.s32 $0xFFFFFFFF  }
0x1d: {  	s27 =	simm.s32 $execute0_lowered;
	[smem:$0x3FD2] =	sst s26  }
0x1e: {  	s5 =	sshll.u32 s27, $0x1;
	_ =	strace $0x80000049;
	[dreg:$0x1] =	wrdreg $0xFFFFFFFF  }
0x1f: {  	s28 =	simm.s32 $_size_execute0_lowered;
	s3 =	sadd.s32 s3, s5;
	[dreg:$0x0] =	wrdreg $0x0  }
0x20: {  	s5 =	sshll.u32 s28, $0x1;
	[dreg:$0x2] =	wrdreg s3  }
0x21: {  	[dreg:$0x3] =	wrdreg s5  }
0x22: {  	[dreg:$0x4] =	wrdreg $0xC0  }
0x23: {  	_ =	task [dreg:s7], $0x5FFFF  }
0x24: {  	[dreg:$0x1] =	wrdreg $0xFFFFFFFF  }
0x25: {  	[dreg:$0x0] =	wrdreg $0x60  }
0x26: {  	[dreg:$0x2] =	wrdreg s25  }
0x27: {  	[dreg:$0x3] =	wrdreg s2  }
0x28: {  	[dreg:$0x4] =	wrdreg $0x9  }
0x29: {  	_ =	task.clear_ibuf [dreg:s7], $0x5FFFF;
	_ =	strace $0x90000049  }
0x2a: {  	s29 =	simm.s32 $0x9;
	_ =	strace $0x8000004B  }
0x2b: {  	_ =	swait.ge [sflag:s29], $0x1  }
0x2c: {  	[sflag:s29] =	ssyncadd.s32 $0xFFFFFFFF  }
0x2d: {  	_ =	strace $0x9000004B  }
0x2e: {  	_ =	sfence  }
0x2f: {  	s30 =	sld [smem:$0x0];
	_ =	sdelay $0x2  }
0x30: {  	s31 =	sshll.u32 s1, $0xD;
	s1 =	sshrl.u32 s1, $0x2  }
0x31: {  	s3 =	sand.u32 $0x4000, s31;
	s1 =	sadd.s32 s1, s30  }
0x32: {  	s0 =	sor.u32 s3, s0;
	s1 =	sshll.u32 s1, $0x11  }
0x33: {  	s0 =	sor.u32 s1, s0  }
0x34: {  	s0 =	sadd.s32 $0x8F2B, s0  }
0x35: {  	[sflag:s0] =	ssyncadd.remote.s32 $0x1  }
0x36: {  	_ =	sfence.sel $0xFFFF  }
0x37: {  	[dreg:$0x0] =	wrdreg $0xFFFFFFFF;
	(pc) =	sbr.abs _section_cstart, $3  }
0x38: {  	[dreg:$0x1] =	wrdreg $0xFFFFFFFF  }
0x39: {  	_ =	task.clear_ibuf [dreg:s7], $0x2FFFF;
	_ =	strace $0x9FFFFFFF  }
0x3a: {  	(tm) =	ssettm $0x7FFFFFFF  }
0x3b: {  	_ =	shalt  }
tec
execute0_lowered:
.L_overlay_start_1:
0x0: {  	(tag) =	ssettag $0x1  }
0x1: {  	s0 =	srdreg.scid;
	s7 =	rddreg [dreg:$0x0]  }
0x2: {  	s2 =	rddreg [dreg:$0x1];
	s1 =	stileid.u32  }
0x3: {  	s31 =	simm.s32 $0x2;
	s18 =	simm.s32 $0x0;
	s10 =	simm.s32 $0x800  }
0x4: {  	s11 =	simm.s32 $0x1000;
	s12 =	simm.s32 $0x0;
	s19 =	simm.s32 $0x0  }
0x5: {  	s20 =	simm.s32 $0x0;
	s13 =	simm.s32 $0x0;
	s0 =	sshll.u32 s0, $0x9  }
0x6: {  	s14 =	simm.s32 $0x0;
	s4 =	sshll.u32 s1, $0x3;
	s3 =	sand.u32 $0x200, s0  }
0x7: {  	s16 =	simm.s32 $0x0;
	s6 =	ssub.s32 $0x808, s4;
	s5 =	ssub.s32 $0x400, s3  }
0x8: {  	s17 =	simm.s32 $0x0;
	s6 =	sshrl.u32 s6, $0x7;
	s8 =	sshrl.u32 s5, $0x9  }
.Ltmp0:
0x9: {  	s9 =	sshrl.u32 s5, $0xA;
	s8 =	sand.u32 $0x1, s8;
	(pc) =	sbr.rel .LBB1_1-.Ltmp0, $4  }
0xa: {  	s0 =	rddreg [dreg:$0x2];
	s6 =	sadd.s32 $0x1, s6;
	s8 =	sadd.s32 s9, s8  }
0xb: {  	_ =	strace $0x8000004A;
	s5 =	simm.s32 $0x1;
	s6 =	smul.u32 s6, s8  }
0xc: {  	s7 =	sadd.s32 $0x1800, s7;
	s15 =	smov.u32 s4;
	[sflag:s5] =	ssyncpa.u1 $0x0  }
0xd: {  	[sflag:s31] =	ssyncpa.u1 $0x0;
	s8 =	sshll.u32 s3, $0x3;
	s9 =	sadd.s32 $0x1, s6  }
.LBB1_7:
0xe: {  	p0 =	slt.u32 s17, $0x2  }
0xf: {  	p1 =	sgt.s32 @!p0 s18, $0x802  }
0x10: {  	s20 =	smov.u32 s18;
	s21 =	sshra.s32 @!p0 s18, $0x1F;
	p1 =	por !p1, p0  }
0x11: {  	s18 =	sand.u32 @!p0 s21, s18;
	s21 =	ssub.s32 @!p0 $0x0, s19;
	s20 =	simm.s32 @p1 $0x802  }
0x12: {  	s19 =	smin.u32 @!p0 s19, s21;
	s18 =	ssub.s32 @!p0 s20, s18  }
0x13: {  	s22 =	smov.u32 s16;
	p2 =	sgt.s32 @!p0 s19, $0x3;
	s20 =	sadd.s32 @!p0 $0xFFFFF7FE, s18  }
0x14: {  	s19 =	sshll.u32 @!p0 s19, $0x9;
	s18 =	ssub.s32 @!p0 $0x80A, s18;
	p1 =	sgt.s32 @!p0 s20, $0x7  }
0x15: {  	s19 =	ssub.s32 @!p0 $0x800, s19;
	p2 =	por !p2, p0;
	p1 =	por !p1, p0  }
0x16: {  	s21 =	sadd.s32 $0x80, s15;
	s19 =	simm.s32 @!p2 $0x0;
	s18 =	simm.s32 @!p1 $0x0  }
0x17: {  	p1 =	sgt.s32 s21, $0x809;
	s18 =	smul.u32 @!p0 s18, s19;
	s19 =	sadd.s32 $0x4, s16  }
0x18: {  	s22 =	smov.u32 @p1 s19  }
0x19: {  	s21 =	smov.u32 @p1 s4;
	p1 =	sgt.s32 s22, $0x3  }
0x1a: {  	s12 =	sadd.s32 $0x4000, s12;
	s22 =	simm.s32 @p1 $0x0;
	p1 =	sne.s32 s17, s9  }
.Ltmp1:
0x1b: {  	s20 =	simm.s32 @!p0 $0x2;
	s18 =	sand.u32 @!p0 $0x3FFFFE00, s18;
	(pc) =	sbr.rel @!p1 .LBB1_8-.Ltmp1, $4  }
0x1c: {  	s19 =	smov.u32 s14;
	s14 =	smov.u32 s16;
	_ =	swait.ge @!p0 [sflag:s20], s18  }
0x1d: {  	s23 =	ssub.s32 @!p0 $0x0, s18;
	s18 =	smov.u32 s13;
	s17 =	sadd.s32 $0x1, s17  }
0x1e: {  	s13 =	smov.u32 s15;
	s15 =	smov.u32 s21;
	[sflag:s20] =	ssyncset.done @!p0 $0x0  }
0x1f: {  	s16 =	smov.u32 s22;
	[sflag:s20] =	ssyncadd.s32 @!p0 s23;
	s20 =	smov.u32 s3  }
.LBB1_1:
0x20: {  	p0 =	sge.u32 s17, s6  }
0x21: {  	s21 =	sshll.u32 @!p0 s15, $0xA  }
0x22: {  	s21 =	sand.u32 @!p0 $0xFFFFE000, s21  }
0x23: {  	s21 =	sor.u32 @!p0 s8, s21  }
0x24: {  	s21 =	sshrl.u32 @!p0 s21, $0xA  }
0x25: {  	s22 =	smulhi.u32 @!p0 $0x3F80FF, s21;
	_ =	sdelay $0x1  }
0x26: {  	s22 =	sshrl.u32 @!p0 s22, $0x1  }
0x27: {  	s22 =	smul.u32 @!p0 $0x810, s22  }
0x28: {  	s31 =	sadd.s32 $0xFFFFFFFF, s17;
	s23 =	smul.u32 @!p0 $0x40800, s16  }
0x29: {  	s24 =	sxor.u32 @!p0 $0xFFFFFFFF, s17;
	s21 =	ssub.s32 @!p0 s21, s22;
	s22 =	sshll.u32 @!p0 s15, $0x4  }
0x2a: {  	s24 =	sshll.u32 @!p0 s24, $0xE;
	s23 =	sadd.s32 @!p0 s7, s23;
	s22 =	sand.u32 @!p0 $0x70, s22  }
0x2b: {  	s24 =	sand.u32 @!p0 $0x4000, s24;
	s21 =	sshll.u32 @!p0 s21, $0x7;
	s22 =	sadd.s32 @!p0 s22, s23  }
0x2c: {  	s23 =	simm.s32 @!p0 $0x204000;
	s21 =	sadd.s32 @!p0 s21, s22;
	s22 =	simm.s32 @!p0 $0x1000  }
0x2d: {  	[tilespmem:s24], [sflag:$0x1] =	stream.strided.gather @!p0 [hbm4b:s21+s22], $0x4000, s23, s22, $0x38;
	[tilespmem:$0x10000] =	vst v63  }
0x2e: {  	p0 =	sge.u32 s31, s6  }
.Ltmp2:
0x2f: {  	_ = 	snop;
	(pc) =	sbr.rel @p0 .LBB1_7-.Ltmp2, $1  }
0x30: {  	_ =	sdelay $0x3  }
0x31: {  	s21 =	sand.u32 $0x4000, s12;
	_ =	swait.ge [sflag:s5], $0x4000  }
0x32: {  	s24 =	sshll.u32 s17, $0xE;
	s25 =	simm.s32 $0x0;
	s26 =	simm.s32 $0x0  }
0x33: {  	s22 =	sor.u32 $0x8400, s21;
	[sflag:s5] =	ssyncset.done $0x0;
	s24 =	sand.u32 $0x4000, s24  }
0x34: {  	s23 =	sor.u32 $0x810, s21;
	[sflag:s5] =	ssyncadd.s32 $0xFFFFC000;
	s21 =	sor.u32 $0x8000, s24  }
.LBB1_3:
0x35: {  	v4 =	vld [tilespmem:s23+$0xFFFFF7F0]  }
0x36: {  	v5 =	vld [tilespmem:s23+$0xFFFFF800]  }
0x37: {  	s27 =	sshll.u32 s26, $0xC;
	v6 =	vld [tilespmem:s23+$0xFFFFF810]  }
0x38: {  	v0 =	vmov s27  }
0x39: {  	v7 =	vld [tilespmem:s23+$0xFFFFF820]  }
0x3a: {  	s27 =	sand.u32 $0x200, s25;
	[tilespmem:s22+$0xFFFFFC00] =	vst v4;
	v4 =	vld [tilespmem:s23+$0xFFFFF860]  }
0x3b: {  	s28 =	sand.u32 $0x180, s25;
	s27 =	sadd.s32 s27, s24;
	[tilespmem:s22+$0xFFFFFC10] =	vst v5;
	v5 =	vld [tilespmem:s23+$0xFFFFFC00]  }
0x3c: {  	s27 =	sadd.s32 s28, s27;
	[tilespmem:s22+$0xFFFFFC20] =	vst v6;
	v6 =	vld [tilespmem:s23+$0xFFFFFC10]  }
0x3d: {  	v1 =	vld.idx.msk [tilespmem:v0+s27+$0xC00 ss:$0x1], $0xffff  }
0x3e: {  	v2 =	vld.idx.msk [tilespmem:v0+s27+$0x400 ss:$0x1], $0xffff  }
0x3f: {  	[tilespmem:s22+$0xFFFFFC30] =	vst v7;
	v3 =	vld.idx.msk [tilespmem:v0+s27+$0x800 ss:$0x1], $0xffff  }
0x40: {  	v7 =	vld [tilespmem:s23+$0x40];
	[tilespmem:s22+$0xFFFFFC70] =	vst v4  }
0x41: {  	v4 =	vld [tilespmem:s23+$0xFFFFFC50];
	[tilespmem:s22+$0xFFFFFE10] =	vst v5  }
0x42: {  	[tilespmem:s22+$0x200] =	vst v1;
	v1 =	vld [tilespmem:s23+$0xFFFFF830]  }
0x43: {  	[tilespmem:s22+$0xFFFFFE00] =	vst v2;
	v2 =	vld [tilespmem:s23+$0xFFFFF840]  }
0x44: {  	[tilespmem:s22+$0x0] =	vst v3;
	v3 =	vld [tilespmem:s23+$0xFFFFF850]  }
0x45: {  	v5 =	vld [tilespmem:s23+$0xFFFFFC60];
	[tilespmem:s22+$0xFFFFFE20] =	vst v6  }
0x46: {  	v6 =	vld [tilespmem:s23+$0x0];
	[tilespmem:s22+$0x50] =	vst v7  }
0x47: {  	[tilespmem:s22+$0xFFFFFC40] =	vst v1;
	v1 =	vld [tilespmem:s23+$0xFFFFFC20]  }
0x48: {  	[tilespmem:s22+$0xFFFFFC50] =	vst v2;
	v2 =	vld [tilespmem:s23+$0xFFFFFC30]  }
0x49: {  	[tilespmem:s22+$0xFFFFFC60] =	vst v3;
	v3 =	vld [tilespmem:s23+$0xFFFFFC40]  }
0x4a: {  	[tilespmem:s22+$0xFFFFFE70] =	vst v5;
	v5 =	vld [tilespmem:s23+$0x50]  }
0x4b: {  	[tilespmem:s22+$0x10] =	vst v6;
	v6 =	vld [tilespmem:s23+$0x60]  }
0x4c: {  	[tilespmem:s22+$0xFFFFFE30] =	vst v1;
	v1 =	vld [tilespmem:s23+$0x10]  }
0x4d: {  	[tilespmem:s22+$0xFFFFFE40] =	vst v2;
	v2 =	vld [tilespmem:s23+$0x20]  }
0x4e: {  	[tilespmem:s22+$0xFFFFFE50] =	vst v3;
	v3 =	vld [tilespmem:s23+$0x30]  }
0x4f: {  	[tilespmem:s22+$0xFFFFFE60] =	vst v4;
	v4 =	vld [tilespmem:s23+$0x400]  }
0x50: {  	[tilespmem:s22+$0x60] =	vst v5;
	v5 =	vld [tilespmem:s23+$0x440]  }
0x51: {  	[tilespmem:s22+$0x20] =	vst v1;
	v1 =	vld [tilespmem:s23+$0x410]  }
0x52: {  	s30 =	simm.s32 $0x80;
	s29 =	simm.s32 $0x100;
	[tilespmem:s22+$0x30] =	vst v2;
	v2 =	vld [tilespmem:s23+$0x420]  }
0x53: {  	s31 =	sand.u32 $0x200, s30;
	s28 =	smov.u32 s23;
	s27 =	smov.u32 s22;
	[tilespmem:s22+$0x40] =	vst v3;
	v3 =	vld [tilespmem:s23+$0x430]  }
.LBB1_4:
0x54: {  	p0 =	sne.s32 s29, $0x380;
	s30 =	sand.u32 $0x180, s30;
	s31 =	sadd.s32 s31, s24;
	[tilespmem:s27+$0x70] =	vst v6;
	v6 =	vld [tilespmem:s28+$0x450]  }
0x55: {  	s31 =	sadd.s32 s30, s31;
	[tilespmem:s27+$0x210] =	vst v4;
	v4 =	vld [tilespmem:s28+$0x460];
	s30 =	smov.u32 s29  }
0x56: {  	v7 =	vld.idx.msk [tilespmem:v0+s31+$0xC00 ss:$0x1], $0xffff;
	[tilespmem:s27+$0x220] =	vst v1  }
0x57: {  	v1 =	vld.idx.msk [tilespmem:v0+s31+$0x400 ss:$0x1], $0xffff;
	[tilespmem:s27+$0x230] =	vst v2  }
0x58: {  	s28 =	sadd.s32 $0x80, s28;
	v2 =	vld.idx.msk [tilespmem:v0+s31+$0x800 ss:$0x1], $0xffff;
	[tilespmem:s27+$0x240] =	vst v3  }
0x59: {  	v3 =	vld [tilespmem:s28+$0xFFFFF7F0];
	[tilespmem:s27+$0x250] =	vst v5  }
0x5a: {  	v5 =	vld [tilespmem:s28+$0xFFFFF800];
	[tilespmem:s27+$0x260] =	vst v6  }
0x5b: {  	v6 =	vld [tilespmem:s28+$0xFFFFF810];
	[tilespmem:s27+$0x270] =	vst v4;
	s27 =	sadd.s32 $0x800, s27  }
0x5c: {  	v4 =	vld [tilespmem:s28+$0xFFFFF820];
	[tilespmem:s27+$0x200] =	vst v7  }
0x5d: {  	v7 =	vld [tilespmem:s28+$0xFFFFF830];
	[tilespmem:s27+$0xFFFFFE00] =	vst v1  }
0x5e: {  	v1 =	vld [tilespmem:s28+$0xFFFFF840];
	[tilespmem:s27+$0x0] =	vst v2  }
0x5f: {  	[tilespmem:s27+$0xFFFFFC00] =	vst v3;
	v2 =	vld [tilespmem:s28+$0xFFFFF850]  }
0x60: {  	[tilespmem:s27+$0xFFFFFC10] =	vst v5;
	v3 =	vld [tilespmem:s28+$0xFFFFF860]  }
0x61: {  	[tilespmem:s27+$0xFFFFFC20] =	vst v6;
	v5 =	vld [tilespmem:s28+$0xFFFFFC00]  }
0x62: {  	[tilespmem:s27+$0xFFFFFC30] =	vst v4;
	v4 =	vld [tilespmem:s28+$0xFFFFFC10]  }
0x63: {  	[tilespmem:s27+$0xFFFFFC40] =	vst v7;
	v6 =	vld [tilespmem:s28+$0xFFFFFC20]  }
0x64: {  	[tilespmem:s27+$0xFFFFFC50] =	vst v1;
	v1 =	vld [tilespmem:s28+$0xFFFFFC30]  }
0x65: {  	[tilespmem:s27+$0xFFFFFC60] =	vst v2;
	v2 =	vld [tilespmem:s28+$0xFFFFFC40]  }
0x66: {  	[tilespmem:s27+$0xFFFFFC70] =	vst v3;
	v3 =	vld [tilespmem:s28+$0xFFFFFC50]  }
0x67: {  	[tilespmem:s27+$0xFFFFFE10] =	vst v5;
	v5 =	vld [tilespmem:s28+$0xFFFFFC60]  }
0x68: {  	[tilespmem:s27+$0xFFFFFE20] =	vst v4;
	v4 =	vld [tilespmem:s28+$0x0]  }
0x69: {  	[tilespmem:s27+$0xFFFFFE30] =	vst v6;
	v7 =	vld [tilespmem:s28+$0x10]  }
0x6a: {  	[tilespmem:s27+$0xFFFFFE40] =	vst v1;
	v1 =	vld [tilespmem:s28+$0x20]  }
0x6b: {  	[tilespmem:s27+$0xFFFFFE50] =	vst v2;
	v2 =	vld [tilespmem:s28+$0x30]  }
0x6c: {  	[tilespmem:s27+$0xFFFFFE60] =	vst v3;
	v3 =	vld [tilespmem:s28+$0x40]  }
0x6d: {  	[tilespmem:s27+$0xFFFFFE70] =	vst v5;
	v5 =	vld [tilespmem:s28+$0x50]  }
0x6e: {  	[tilespmem:s27+$0x10] =	vst v4;
	v6 =	vld [tilespmem:s28+$0x60]  }
.Ltmp3:
0x6f: {  	[tilespmem:s27+$0x20] =	vst v7;
	v4 =	vld [tilespmem:s28+$0x400];
	(pc) =	sbr.rel @p0 .LBB1_4-.Ltmp3, $4  }
0x70: {  	[tilespmem:s27+$0x30] =	vst v1;
	v1 =	vld [tilespmem:s28+$0x410]  }
0x71: {  	[tilespmem:s27+$0x40] =	vst v2;
	v2 =	vld [tilespmem:s28+$0x420]  }
0x72: {  	[tilespmem:s27+$0x50] =	vst v3;
	v3 =	vld [tilespmem:s28+$0x430]  }
0x73: {  	s29 =	sadd.s32 $0x80, s29;
	s31 =	sand.u32 $0x200, s30;
	[tilespmem:s27+$0x60] =	vst v5;
	v5 =	vld [tilespmem:s28+$0x440]  }
0x74: {  	[tilespmem:s27+$0x70] =	vst v6  }
0x75: {  	v30 =	vld [tilespmem:s28+$0x450];
	[tilespmem:s27+$0x210] =	vst v4  }
0x76: {  	s29 =	sand.u32 $0x180, s30;
	v31 =	vld [tilespmem:s28+$0x460];
	s30 =	sadd.s32 $0x80, s28;
	[tilespmem:s27+$0x220] =	vst v1  }
0x77: {  	v35 =	vld [tilespmem:s30+$0xFFFFF7F0];
	[tilespmem:s27+$0x230] =	vst v2  }
0x78: {  	v36 =	vld [tilespmem:s30+$0xFFFFF800];
	[tilespmem:s27+$0x240] =	vst v3  }
0x79: {  	v37 =	vld [tilespmem:s30+$0xFFFFF810];
	[tilespmem:s27+$0x250] =	vst v5  }
0x7a: {  	s31 =	sadd.s32 s31, s24;
	v38 =	vld [tilespmem:s30+$0xFFFFF820];
	[tilespmem:s27+$0x260] =	vst v30  }
0x7b: {  	s29 =	sadd.s32 s29, s31;
	s31 =	sadd.s32 $0x800, s27;
	v39 =	vld [tilespmem:s30+$0xFFFFF830];
	[tilespmem:s27+$0x270] =	vst v31  }
0x7c: {  	v40 =	vld [tilespmem:s30+$0xFFFFF840];
	[tilespmem:s31+$0xFFFFFC00] =	vst v35  }
0x7d: {  	v41 =	vld [tilespmem:s30+$0xFFFFF850];
	[tilespmem:s31+$0xFFFFFC10] =	vst v36  }
0x7e: {  	v42 =	vld [tilespmem:s30+$0xFFFFF860];
	[tilespmem:s31+$0xFFFFFC20] =	vst v37  }
0x7f: {  	v43 =	vld [tilespmem:s30+$0xFFFFFC00];
	[tilespmem:s31+$0xFFFFFC30] =	vst v38  }
0x80: {  	v44 =	vld [tilespmem:s30+$0xFFFFFC10];
	[tilespmem:s31+$0xFFFFFC40] =	vst v39  }
0x81: {  	v45 =	vld [tilespmem:s30+$0xFFFFFC20];
	[tilespmem:s31+$0xFFFFFC50] =	vst v40  }
0x82: {  	v46 =	vld [tilespmem:s30+$0xFFFFFC30];
	[tilespmem:s31+$0xFFFFFC60] =	vst v41  }
0x83: {  	v47 =	vld [tilespmem:s30+$0xFFFFFC40];
	[tilespmem:s31+$0xFFFFFC70] =	vst v42  }
0x84: {  	v48 =	vld [tilespmem:s30+$0xFFFFFC50];
	[tilespmem:s31+$0xFFFFFE10] =	vst v43  }
0x85: {  	v49 =	vld [tilespmem:s30+$0xFFFFFC60];
	[tilespmem:s31+$0xFFFFFE20] =	vst v44  }
0x86: {  	v50 =	vld [tilespmem:s30+$0x0];
	[tilespmem:s31+$0xFFFFFE30] =	vst v45  }
0x87: {  	v51 =	vld [tilespmem:s30+$0x10];
	[tilespmem:s31+$0xFFFFFE40] =	vst v46  }
0x88: {  	v52 =	vld [tilespmem:s30+$0x20];
	[tilespmem:s31+$0xFFFFFE50] =	vst v47  }
0x89: {  	v53 =	vld [tilespmem:s30+$0x30];
	[tilespmem:s31+$0xFFFFFE60] =	vst v48  }
0x8a: {  	v54 =	vld [tilespmem:s30+$0x40];
	[tilespmem:s31+$0xFFFFFE70] =	vst v49  }
0x8b: {  	v55 =	vld [tilespmem:s30+$0x50];
	[tilespmem:s31+$0x10] =	vst v50  }
0x8c: {  	v56 =	vld [tilespmem:s30+$0x60];
	[tilespmem:s31+$0x20] =	vst v51  }
0x8d: {  	v57 =	vld [tilespmem:s30+$0x400];
	[tilespmem:s31+$0x30] =	vst v52  }
0x8e: {  	v58 =	vld [tilespmem:s30+$0x410];
	[tilespmem:s31+$0x40] =	vst v53  }
0x8f: {  	v59 =	vld [tilespmem:s30+$0x420];
	[tilespmem:s31+$0x50] =	vst v54  }
0x90: {  	v60 =	vld [tilespmem:s30+$0x430];
	[tilespmem:s31+$0x60] =	vst v55  }
0x91: {  	v61 =	vld [tilespmem:s30+$0x440];
	[tilespmem:s31+$0x70] =	vst v56  }
0x92: {  	v62 =	vld [tilespmem:s30+$0x450];
	[tilespmem:s31+$0x210] =	vst v57  }
0x93: {  	v63 =	vld [tilespmem:s30+$0x460];
	[tilespmem:s31+$0x220] =	vst v58  }
0x94: {  	v32 =	vld.idx.msk [tilespmem:v0+s29+$0xC00 ss:$0x1], $0xffff;
	[tilespmem:s31+$0x230] =	vst v59  }
0x95: {  	s26 =	sadd.s32 $0x1, s26;
	v33 =	vld.idx.msk [tilespmem:v0+s29+$0x400 ss:$0x1], $0xffff;
	[tilespmem:s31+$0x240] =	vst v60  }
0x96: {  	p0 =	sne.s32 s26, $0x4;
	v34 =	vld.idx.msk [tilespmem:v0+s29+$0x800 ss:$0x1], $0xffff;
	[tilespmem:s31+$0x250] =	vst v61  }
.Ltmp4:
0x97: {  	[tilespmem:s31+$0x260] =	vst v62;
	(pc) =	sbr.rel @p0 .LBB1_3-.Ltmp4, $4  }
0x98: {  	[tilespmem:s31+$0x270] =	vst v63  }
0x99: {  	[tilespmem:s31+$0x200] =	vst v32  }
0x9a: {  	[tilespmem:s31+$0xFFFFFE00] =	vst v33  }
0x9b: {  	s22 =	sadd.s32 $0x80, s22;
	s23 =	sadd.s32 $0x1000, s23;
	[tilespmem:s31+$0x0] =	vst v34  }
0x9c: {  	p0 =	sgt.s32 s13, $0x802;
	s22 =	smov.u32 s13;
	s23 =	sshra.s32 s13, $0x1F  }
0x9d: {  	s22 =	simm.s32 @!p0 $0x802;
	s23 =	sand.u32 s23, s13  }
0x9e: {  	s28 =	ssub.s32 $0x0, s14;
	s22 =	ssub.s32 s22, s23  }
0x9f: {  	s30 =	sshll.u32 s13, $0x9;
	s23 =	smin.u32 s14, s28;
	s24 =	sadd.s32 $0xFFFFF7FE, s22  }
0xa0: {  	s22 =	ssub.s32 $0x80A, s22;
	s29 =	sshll.u32 s23, $0x9;
	p0 =	sgt.s32 s24, $0x7  }
0xa1: {  	s22 =	simm.s32 @p0 $0x0;
	p0 =	sgt.s32 s23, $0x3;
	s23 =	ssub.s32 $0x800, s29  }
.Ltmp5:
0xa2: {  	s25 =	sshll.u32 s14, $0x4;
	s23 =	simm.s32 @p0 $0x0;
	(pc) =	sbr.rel .LBB1_7-.Ltmp5, $4  }
0xa3: {  	s31 =	sand.u32 $0x30, s25;
	s24 =	sadd.s32 s2, s30;
	s22 =	smul.u32 s22, s23  }
0xa4: {  	s20 =	sshrl.u32 s20, $0x1;
	s23 =	sadd.s32 s31, s24  }
0xa5: {  	s20 =	sadd.s32 s20, s23;
	s22 =	sand.u32 $0x3FFFFE00, s22  }
0xa6: {  	[hbm4b:s20+s10] =	stream.strided.scatter [tilespmem:s21], [sflag:$0x2], s22, s11, s10, $0x38;
	[tilespmem:$0x10000] =	vst v63  }
.LBB1_8:
0xa7: {  	_ =	sfence.sel $0x180000  }
0xa8: {  	s2 =	simm.s32 $0x1;
	[bflag:$0x0] =	sbarrier.arrive $0xFFFF  }
0xa9: {  	s31 =	simm.s32 $0x2;
	[sflag:s2] =	ssyncpa.u1 $0x1  }
0xaa: {  	[sflag:s31] =	ssyncpa.u1 $0x1  }
0xab: {  	p0 =	sne.s32 s1, $0x0;
	_ =	strace $0x9000004A  }
0xac: {  	s0 =	sadd.s32 @!p0 $0x100000, s0;
	[bflag:$0x2] =	sbarrier.arrive $0xFFFF  }
0xad: {  	[sflag:s0] =	ssyncadd.tile.s32 @!p0 $0x1;
	_ =	shalt  }
.Lfunc_end1:
_tile_overlayer_lowered:
.L_overlay_start_2:
0xae: {  	(tag) =	ssettag $0x2  }
0xaf: {  	s0 =	rddreg [dreg:$0x0];
	s2 =	stileid.u32  }
0xb0: {  	s1 =	rddreg [dreg:$0x1];
	p0 =	sne.s32 s2, $0x0  }
0xb1: {  	s3 =	rddreg [dreg:$0x2];
	[bflag:$0x3] =	sbarrier.arrive $0xFFFF;
	s2 =	simm.s32 @!p0 $0x1C01  }
0xb2: {  	[timem:s3], [sflag:s2] =	dma.local @!p0 [hbm:s0], s1  }
0xb3: {  	s0 =	simm.s32 @!p0 $0x1  }
0xb4: {  	_ =	swait.ge @!p0 [sflag:s0], s1  }
0xb5: {  	s1 =	ssub.s32 @!p0 $0x0, s1;
	[sflag:s0] =	ssyncset.done @!p0 $0x0  }
0xb6: {  	[sflag:s0] =	ssyncadd.s32 @!p0 s1  }
0xb7: {  	[bflag:$0x3] =	sbarrier.arrive $0xFFFF  }
0xb8: {  	_ =	shalt  }

</sc_bundles>
